<compile_context>
chip_gen: v7x
topology: tpu7x:2x2x1
jax: 0.10.2.dev20260603
libtpu: 0.0.44.dev20260713+nightly
codegen_flags: <defaults>
</compile_context>

<pallas_src>
import jax
import jax.numpy as jnp
from jax.experimental import pallas as pl

_LANE_ORDER = ['dep', 'dim', 'reg', 'rot', 'wh', 'hm']
_BN_EPS = 1e-5
_R = 16
_H = 128
_W = 128
_CIN = 64
_COUT = 6 * 64


def _conv_kernel(x_ref, wk_ref, s_ref, t_ref, w2_ref, b2_ref,
                 dep_ref, dim_ref, hm_ref, reg_ref, rot_ref, wh_ref):
    ri = pl.program_id(1)
    npix = _R * _W
    nband = (_R + 2) * _W
    x = x_ref[0, :, pl.ds(ri * npix, nband)]

    w_idx = jax.lax.broadcasted_iota(jnp.int32, (1, nband), 1) % _W
    zc = jnp.zeros((_CIN, 1), jnp.float32)
    xl = jnp.where(w_idx == 0, 0.0,
                   jnp.concatenate([zc, x[:, :-1]], axis=1))
    xr = jnp.where(w_idx == _W - 1, 0.0,
                   jnp.concatenate([x[:, 1:], zc], axis=1))
    stack = jnp.concatenate([xl, x, xr], axis=0)

    acc = jnp.zeros((_COUT, npix), jnp.float32)
    for dy in range(3):
        rhs = stack[:, dy * _W:dy * _W + npix]
        acc = acc + jnp.dot(wk_ref[dy], rhs,
                            preferred_element_type=jnp.float32)

    y = jnp.maximum(acc * s_ref[:] + t_ref[:], 0.0)
    hm = jax.nn.sigmoid(
        jnp.dot(w2_ref[:], y[320:384, :],
                preferred_element_type=jnp.float32) + b2_ref[:])

    dep_ref[0] = y[0:64, :]
    dim_ref[0] = y[64:128, :]
    reg_ref[0] = y[128:192, :]
    rot_ref[0] = y[192:256, :]
    wh_ref[0] = y[256:320, :]
    hm_ref[0] = hm


def kernel(feat16, feat8, feat4, params):
    del feat16, feat8
    b = feat4.shape[0]

    w_all = jnp.concatenate([params[n]['w1'] for n in _LANE_ORDER], axis=0)
    wk = jnp.transpose(w_all, (2, 0, 3, 1)).reshape(3, _COUT, 3 * _CIN)
    inv = 1.0 / jnp.sqrt(1.0 + _BN_EPS)
    s = jnp.concatenate([params[n]['gamma'] * inv for n in _LANE_ORDER])
    t = jnp.concatenate(
        [params[n]['b1'] * params[n]['gamma'] * inv + params[n]['beta']
         for n in _LANE_ORDER])
    s = s.reshape(_COUT, 1)
    t = t.reshape(_COUT, 1)
    w2 = params['hm']['w2'][:, :, 0, 0]
    b2 = params['hm']['b2'].reshape(3, 1)

    x = jnp.pad(feat4, ((0, 0), (0, 0), (1, 1), (0, 0)))
    x = x.reshape(b, _CIN, (_H + 2) * _W)

    nb = _H // _R
    grid = (b, nb)
    npix = _H * _W
    out_shapes = [
        jax.ShapeDtypeStruct((b, 64, npix), jnp.float32),
        jax.ShapeDtypeStruct((b, 64, npix), jnp.float32),
        jax.ShapeDtypeStruct((b, 3, npix), jnp.float32),
        jax.ShapeDtypeStruct((b, 64, npix), jnp.float32),
        jax.ShapeDtypeStruct((b, 64, npix), jnp.float32),
        jax.ShapeDtypeStruct((b, 64, npix), jnp.float32),
    ]
    head_spec = pl.BlockSpec((1, 64, _R * _W), lambda bi, ri: (bi, 0, ri))
    hm_spec = pl.BlockSpec((1, 3, _R * _W), lambda bi, ri: (bi, 0, ri))
    outs = pl.pallas_call(
        _conv_kernel,
        grid=grid,
        in_specs=[
            pl.BlockSpec((1, _CIN, (_H + 2) * _W), lambda bi, ri: (bi, 0, 0)),
            pl.BlockSpec((3, _COUT, 3 * _CIN), lambda bi, ri: (0, 0, 0)),
            pl.BlockSpec((_COUT, 1), lambda bi, ri: (0, 0)),
            pl.BlockSpec((_COUT, 1), lambda bi, ri: (0, 0)),
            pl.BlockSpec((3, _CIN), lambda bi, ri: (0, 0)),
            pl.BlockSpec((3, 1), lambda bi, ri: (0, 0)),
        ],
        out_specs=[head_spec, head_spec, hm_spec, head_spec, head_spec,
                   head_spec],
        out_shape=out_shapes,
    )(x, wk, s, t, w2, b2)

    shapes = [(b, 64, _H, _W), (b, 64, _H, _W), (b, 3, _H, _W),
              (b, 64, _H, _W), (b, 64, _H, _W), (b, 64, _H, _W)]
    return tuple(o.reshape(sh) for o, sh in zip(outs, shapes))

# --- scband reference (transcript-rebuilt; emitter-appended) ---
"""Pipeline reference for scband-dddhead-13288628814179 (READ-ONLY COPY).

The authoritative reference and input builder live on the scoring server;
editing this copy changes nothing except your own understanding.
"""

import jax, jax.numpy as jnp
import numpy as np

K = 100
NUM_CLASSES = 3
HEAD_CONV = 64
IN_CH = 64
HEAD_NAMES = ['dep', 'dim', 'hm', 'reg', 'rot', 'wh']
BN_EPS = 1e-5


def conv2d(x, w, b, pad):
    out = jax.lax.conv_general_dilated(x, w, (1, 1), pad, dimension_numbers=('NCHW', 'OIHW', 'NCHW'))
    return out + b[None, :, None, None]


def bn_eval(x, gamma, beta):
    # BatchNorm2d in eval mode with running_mean=0, running_var=1
    return (x / jnp.sqrt(1.0 + BN_EPS)) * gamma[None, :, None, None] + beta[None, :, None, None]


def _nms(heat):
    hmax = jax.lax.reduce_window(heat, -jnp.inf, jax.lax.max, (1, 1, 3, 3), (1, 1, 1, 1), 'SAME')
    keep = (hmax == heat).astype(heat.dtype)
    return heat * keep


def _topk(scores, k):
    b, c, h, w = scores.shape
    topk_scores, topk_inds = jax.lax.top_k(scores.reshape(b, c, h * w), k)
    topk_inds = topk_inds % (h * w)
    topk_ys = (topk_inds // w).astype(jnp.float32)
    topk_xs = (topk_inds % w).astype(jnp.float32)
    topk_score, topk_ind = jax.lax.top_k(topk_scores.reshape(b, c * k), k)
    topk_clses = topk_ind // k

    def g(t):
        return jnp.take_along_axis(t.reshape(b, c * k), topk_ind, axis=1)

    return topk_score, g(topk_inds), topk_clses, g(topk_ys), g(topk_xs)


def _transpose_and_gather_feat(feat, ind):
    b, c, h, w = feat.shape
    f = jnp.transpose(feat, (0, 2, 3, 1)).reshape(b, h * w, c)
    idx = jnp.broadcast_to(ind[:, :, None], (b, ind.shape[1], c))
    return jnp.take_along_axis(f, idx, axis=1)


def setup_inputs(seed: int = 0):
    key = jax.random.key(seed)
    ks = jax.random.split(key, 40)
    feat16 = jax.random.normal(ks[0], (8, 256, 64, 64), jnp.float32)
    feat8 = jax.random.normal(ks[1], (8, 128, 128, 64), jnp.float32)
    feat4 = jax.random.normal(ks[2], (8, 64, 128, 128), jnp.float32)
    params = {}
    i = 3
    for name in HEAD_NAMES:
        p = {}
        p['w1'] = jax.random.normal(ks[i], (HEAD_CONV, IN_CH, 3, 3), jnp.float32) * 0.05
        i += 1
        p['b1'] = jnp.zeros((HEAD_CONV,), jnp.float32)
        p['gamma'] = jnp.ones((HEAD_CONV,), jnp.float32)
        p['beta'] = jnp.zeros((HEAD_CONV,), jnp.float32)
        if name == 'hm':
            p['w2'] = jax.random.normal(ks[i], (NUM_CLASSES, HEAD_CONV, 1, 1), jnp.float32) * 0.05
            i += 1
            p['b2'] = jnp.full((NUM_CLASSES,), -2.19, jnp.float32)
        params[name] = p
    params['reg_3dbox'] = {'w': jax.random.normal(ks[i], (8, 64, 1, 1), jnp.float32) * 0.05,
                           'b': jnp.zeros((8,), jnp.float32)}
    return {'feat16': feat16, 'feat8': feat8, 'feat4': feat4, 'params': params}


def reference(feat16, feat8, feat4, params):
    # eval-mode path of DDDhead.forward
    results = {}
    for name in HEAD_NAMES:
        p = params[name]
        x = conv2d(feat4, p['w1'], p['b1'], 'SAME')
        x = bn_eval(x, p['gamma'], p['beta'])
        x = jax.nn.relu(x)
        if name == 'hm':
            x = conv2d(x, p['w2'], p['b2'], 'VALID')
        results[name] = x
    # heat = results['hm'].sigmoid_()  (in-place: results['hm'] becomes sigmoid)
    heat = jax.nn.sigmoid(results['hm'])
    results['hm'] = heat
    heat = _nms(heat)
    scores, inds, clses, ys, xs = _topk(heat, K)
    b, c, h, w = feat4.shape
    proj_points = jnp.clip(inds, 0, w * h - 1)
    proj_points_8 = proj_points // 2
    proj_points_16 = proj_points // 4
    up_level8_pois = _transpose_and_gather_feat(feat8, proj_points_8)
    up_level16_pois = _transpose_and_gather_feat(feat16, proj_points_16)
    up_level_pois = jnp.concatenate([up_level8_pois, up_level16_pois], axis=-1)
    reg_pois = jnp.ones((8, 64, 64, 320), jnp.float32)
    reg_pois = conv2d(reg_pois, params['reg_3dbox']['w'], params['reg_3dbox']['b'], 'VALID')
    # forward returns [results]; emit as a tuple of arrays in sorted head order
    return tuple(results[n] for n in HEAD_NAMES)

if __name__ == "__main__":
    import jax
    _d = setup_inputs()
    print(jax.jit(kernel)(*tuple(_d.values())))

</pallas_src>

<mosaic_0001>
module attributes {stable_mosaic.version = 14 : i64} {
  func.func @_conv_kernel(%arg0: i32, %arg1: i32, %arg2: memref<1x64x16640xf32, #tpu.memory_space<vmem>>, %arg3: memref<3x384x192xf32, #tpu.memory_space<vmem>>, %arg4: memref<384x1xf32, #tpu.memory_space<vmem>>, %arg5: memref<384x1xf32, #tpu.memory_space<vmem>>, %arg6: memref<3x64xf32, #tpu.memory_space<vmem>>, %arg7: memref<3x1xf32, #tpu.memory_space<vmem>>, %arg8: memref<1x64x2048xf32, #tpu.memory_space<vmem>>, %arg9: memref<1x64x2048xf32, #tpu.memory_space<vmem>>, %arg10: memref<1x3x2048xf32, #tpu.memory_space<vmem>>, %arg11: memref<1x64x2048xf32, #tpu.memory_space<vmem>>, %arg12: memref<1x64x2048xf32, #tpu.memory_space<vmem>>, %arg13: memref<1x64x2048xf32, #tpu.memory_space<vmem>>) attributes {dimension_semantics = [#tpu.dimension_semantics<arbitrary>, #tpu.dimension_semantics<arbitrary>], iteration_bounds = array<i64: 8, 8>, scalar_prefetch = 0 : i64, scratch_operands = 0 : i64, tpu.core_type = #tpu.core_type<tc>, window_params = [{transform_indices = @transform_0, window_bounds = array<i64: 1, 64, 16640>}, {pipeline_mode = #tpu.pipeline_mode<synchronous>, transform_indices = @transform_1, window_bounds = array<i64: 3, 384, 192>}, {pipeline_mode = #tpu.pipeline_mode<synchronous>, transform_indices = @transform_2, window_bounds = array<i64: 384, 1>}, {pipeline_mode = #tpu.pipeline_mode<synchronous>, transform_indices = @transform_3, window_bounds = array<i64: 384, 1>}, {pipeline_mode = #tpu.pipeline_mode<synchronous>, transform_indices = @transform_4, window_bounds = array<i64: 3, 64>}, {pipeline_mode = #tpu.pipeline_mode<synchronous>, transform_indices = @transform_5, window_bounds = array<i64: 3, 1>}, {transform_indices = @transform_6, window_bounds = array<i64: 1, 64, 2048>}, {transform_indices = @transform_7, window_bounds = array<i64: 1, 64, 2048>}, {transform_indices = @transform_8, window_bounds = array<i64: 1, 3, 2048>}, {transform_indices = @transform_9, window_bounds = array<i64: 1, 64, 2048>}, {transform_indices = @transform_10, window_bounds = array<i64: 1, 64, 2048>}, {transform_indices = @transform_11, window_bounds = array<i64: 1, 64, 2048>}]} {
    %mul3A = arith.constant 2048 : i32
    %mul3A_0 = arith.muli %arg1, %mul3A : i32
    %get3A = arith.constant 0 : index
    %get3A_1 = arith.constant 0 : index
    %get3A_2 = arith.index_cast %mul3A_0 : i32 to index
    %get3A_3 = vector.load %arg2[%get3A, %get3A_1, %get3A_2] : memref<1x64x16640xf32, #tpu.memory_space<vmem>>, vector<1x64x2304xf32>
    %get3A_4 = vector.shape_cast %get3A_3 : vector<1x64x2304xf32> to vector<64x2304xf32>
    %iota3A = tpu.iota {dimensions = array<i32: 1>} : vector<1x2304xi32>
    %jit3A = arith.constant 128 : i32
    %eq3A = arith.constant 0 : i32
    %eq3A_5 = arith.cmpi eq, %jit3A, %eq3A : i32
    %jit3A_6 = arith.constant 1 : i32
    %select_n3A = arith.select %eq3A_5, %jit3A_6, %jit3A : i32
    %rem3A = vector.broadcast %select_n3A : i32 to vector<1x2304xi32>
    %rem3A_7 = arith.remsi %iota3A, %rem3A : vector<1x2304xi32>
    %ne3A = arith.constant 0 : i32
    %ne3A_8 = vector.broadcast %ne3A : i32 to vector<1x2304xi32>
    %ne3A_9 = arith.cmpi ne, %rem3A_7, %ne3A_8 : vector<1x2304xi32>
    %lt3A = arith.constant 0 : i32
    %lt3A_10 = vector.broadcast %lt3A : i32 to vector<1x2304xi32>
    %lt3A_11 = arith.cmpi slt, %rem3A_7, %lt3A_10 : vector<1x2304xi32>
    %lt3A_12 = arith.constant 0 : i32
    %lt3A_13 = arith.cmpi slt, %select_n3A, %lt3A_12 : i32
    %ne3A_14 = vector.broadcast %lt3A_13 : i1 to vector<1x2304xi1>
    %ne3A_15 = vector.broadcast %ne3A_14 : vector<1x2304xi1> to vector<1x2304xi1>
    %ne3A_16 = arith.xori %lt3A_11, %ne3A_15 : vector<1x2304xi1>
    %and3A = arith.andi %ne3A_16, %ne3A_9 : vector<1x2304xi1>
    %add3A = vector.broadcast %select_n3A : i32 to vector<1x2304xi32>
    %add3A_17 = arith.addi %rem3A_7, %add3A : vector<1x2304xi32>
    %select_n3A_18 = arith.select %and3A, %add3A_17, %rem3A_7 : vector<1x2304xi1>, vector<1x2304xi32>
    %broadcast_in_dim3A = arith.constant 0.000000e+00 : f32
    %broadcast_in_dim3A_19 = vector.broadcast %broadcast_in_dim3A : f32 to vector<64x1xf32>
    %eq3A_20 = arith.constant 0 : i32
    %eq3A_21 = vector.broadcast %eq3A_20 : i32 to vector<1x2304xi32>
    %eq3A_22 = arith.cmpi eq, %select_n3A_18, %eq3A_21 : vector<1x2304xi32>
    %slice3A = vector.extract_strided_slice %get3A_4 {offsets = [0, 0], sizes = [64, 2303], strides = [1, 1]} : vector<64x2304xf32> to vector<64x2303xf32>
    %concatenate3A = tpu.concatenate %broadcast_in_dim3A_19, %slice3A in 1 : vector<64x1xf32>, vector<64x2303xf32> -> vector<64x2304xf32>
    %jit3A_23 = arith.constant 0.000000e+00 : f32
    %broadcast_in_dim3A_24 = vector.shape_cast %eq3A_22 : vector<1x2304xi1> to vector<1x2304xi1>
    %broadcast_in_dim3A_25 = vector.broadcast %broadcast_in_dim3A_24 : vector<1x2304xi1> to vector<64x2304xi1>
    %broadcast_in_dim3A_26 = vector.broadcast %jit3A_23 : f32 to vector<64x2304xf32>
    %select_n3A_27 = arith.select %broadcast_in_dim3A_25, %broadcast_in_dim3A_26, %concatenate3A : vector<64x2304xi1>, vector<64x2304xf32>
    %eq3A_28 = arith.constant 127 : i32
    %eq3A_29 = vector.broadcast %eq3A_28 : i32 to vector<1x2304xi32>
    %eq3A_30 = arith.cmpi eq, %select_n3A_18, %eq3A_29 : vector<1x2304xi32>
    %slice3A_31 = vector.extract_strided_slice %get3A_4 {offsets = [0, 1], sizes = [64, 2303], strides = [1, 1]} : vector<64x2304xf32> to vector<64x2303xf32>
    %concatenate3A_32 = tpu.concatenate %slice3A_31, %broadcast_in_dim3A_19 in 1 : vector<64x2303xf32>, vector<64x1xf32> -> vector<64x2304xf32>
    %jit3A_33 = arith.constant 0.000000e+00 : f32
    %broadcast_in_dim3A_34 = vector.shape_cast %eq3A_30 : vector<1x2304xi1> to vector<1x2304xi1>
    %broadcast_in_dim3A_35 = vector.broadcast %broadcast_in_dim3A_34 : vector<1x2304xi1> to vector<64x2304xi1>
    %broadcast_in_dim3A_36 = vector.broadcast %jit3A_33 : f32 to vector<64x2304xf32>
    %select_n3A_37 = arith.select %broadcast_in_dim3A_35, %broadcast_in_dim3A_36, %concatenate3A_32 : vector<64x2304xi1>, vector<64x2304xf32>
    %concatenate3A_38 = tpu.concatenate %select_n3A_27, %get3A_4, %select_n3A_37 in 0 : vector<64x2304xf32>, vector<64x2304xf32>, vector<64x2304xf32> -> vector<192x2304xf32>
    %broadcast_in_dim3A_39 = arith.constant 0.000000e+00 : f32
    %broadcast_in_dim3A_40 = vector.broadcast %broadcast_in_dim3A_39 : f32 to vector<384x2048xf32>
    %slice3A_41 = vector.extract_strided_slice %concatenate3A_38 {offsets = [0, 0], sizes = [192, 2048], strides = [1, 1]} : vector<192x2304xf32> to vector<192x2048xf32>
    %get3A_42 = arith.constant 0 : index
    %get3A_43 = arith.constant 0 : index
    %get3A_44 = arith.constant 0 : index
    %get3A_45 = vector.load %arg3[%get3A_42, %get3A_43, %get3A_44] : memref<3x384x192xf32, #tpu.memory_space<vmem>>, vector<1x384x192xf32>
    %get3A_46 = vector.shape_cast %get3A_45 : vector<1x384x192xf32> to vector<384x192xf32>
    %dot_general3A = arith.constant dense<0.000000e+00> : vector<384x2048xf32>
    %dot_general3A_47 = tpu.matmul %get3A_46, %slice3A_41, %dot_general3A {dimension_numbers = #tpu.dot_dimension_numbers<[1], [0], [0], [1], [0, 0, 1, 1], [], []>, transpose_lhs_hint = false} : vector<384x192xf32>, vector<192x2048xf32>, vector<384x2048xf32> -> vector<384x2048xf32>
    %add3A_48 = arith.addf %broadcast_in_dim3A_40, %dot_general3A_47 : vector<384x2048xf32>
    %slice3A_49 = vector.extract_strided_slice %concatenate3A_38 {offsets = [0, 128], sizes = [192, 2048], strides = [1, 1]} : vector<192x2304xf32> to vector<192x2048xf32>
    %get3A_50 = arith.constant 1 : index
    %get3A_51 = arith.constant 0 : index
    %get3A_52 = arith.constant 0 : index
    %get3A_53 = vector.load %arg3[%get3A_50, %get3A_51, %get3A_52] : memref<3x384x192xf32, #tpu.memory_space<vmem>>, vector<1x384x192xf32>
    %get3A_54 = vector.shape_cast %get3A_53 : vector<1x384x192xf32> to vector<384x192xf32>
    %dot_general3A_55 = arith.constant dense<0.000000e+00> : vector<384x2048xf32>
    %dot_general3A_56 = tpu.matmul %get3A_54, %slice3A_49, %dot_general3A_55 {dimension_numbers = #tpu.dot_dimension_numbers<[1], [0], [0], [1], [0, 0, 1, 1], [], []>, transpose_lhs_hint = false} : vector<384x192xf32>, vector<192x2048xf32>, vector<384x2048xf32> -> vector<384x2048xf32>
    %add3A_57 = arith.addf %add3A_48, %dot_general3A_56 : vector<384x2048xf32>
    %slice3A_58 = vector.extract_strided_slice %concatenate3A_38 {offsets = [0, 256], sizes = [192, 2048], strides = [1, 1]} : vector<192x2304xf32> to vector<192x2048xf32>
    %get3A_59 = arith.constant 2 : index
    %get3A_60 = arith.constant 0 : index
    %get3A_61 = arith.constant 0 : index
    %get3A_62 = vector.load %arg3[%get3A_59, %get3A_60, %get3A_61] : memref<3x384x192xf32, #tpu.memory_space<vmem>>, vector<1x384x192xf32>
    %get3A_63 = vector.shape_cast %get3A_62 : vector<1x384x192xf32> to vector<384x192xf32>
    %dot_general3A_64 = arith.constant dense<0.000000e+00> : vector<384x2048xf32>
    %dot_general3A_65 = tpu.matmul %get3A_63, %slice3A_58, %dot_general3A_64 {dimension_numbers = #tpu.dot_dimension_numbers<[1], [0], [0], [1], [0, 0, 1, 1], [], []>, transpose_lhs_hint = false} : vector<384x192xf32>, vector<192x2048xf32>, vector<384x2048xf32> -> vector<384x2048xf32>
    %add3A_66 = arith.addf %add3A_57, %dot_general3A_65 : vector<384x2048xf32>
    %get3A_67 = arith.constant 0 : index
    %get3A_68 = arith.constant 0 : index
    %get3A_69 = vector.load %arg4[%get3A_67, %get3A_68] : memref<384x1xf32, #tpu.memory_space<vmem>>, vector<384x1xf32>
    %mul3A_70 = vector.broadcast %get3A_69 : vector<384x1xf32> to vector<384x2048xf32>
    %mul3A_71 = arith.mulf %add3A_66, %mul3A_70 : vector<384x2048xf32>
    %get3A_72 = arith.constant 0 : index
    %get3A_73 = arith.constant 0 : index
    %get3A_74 = vector.load %arg5[%get3A_72, %get3A_73] : memref<384x1xf32, #tpu.memory_space<vmem>>, vector<384x1xf32>
    %add3A_75 = vector.broadcast %get3A_74 : vector<384x1xf32> to vector<384x2048xf32>
    %add3A_76 = arith.addf %mul3A_71, %add3A_75 : vector<384x2048xf32>
    %max3A = arith.constant 0.000000e+00 : f32
    %max3A_77 = vector.broadcast %max3A : f32 to vector<384x2048xf32>
    %max3A_78 = arith.maximumf %add3A_76, %max3A_77 : vector<384x2048xf32>
    %get3A_79 = arith.constant 0 : index
    %get3A_80 = arith.constant 0 : index
    %get3A_81 = vector.load %arg6[%get3A_79, %get3A_80] : memref<3x64xf32, #tpu.memory_space<vmem>>, vector<3x64xf32>
    %slice3A_82 = vector.extract_strided_slice %max3A_78 {offsets = [320, 0], sizes = [64, 2048], strides = [1, 1]} : vector<384x2048xf32> to vector<64x2048xf32>
    %dot_general3A_83 = arith.constant dense<0.000000e+00> : vector<3x2048xf32>
    %dot_general3A_84 = tpu.matmul %get3A_81, %slice3A_82, %dot_general3A_83 {dimension_numbers = #tpu.dot_dimension_numbers<[1], [0], [0], [1], [0, 0, 1, 1], [], []>, transpose_lhs_hint = false} : vector<3x64xf32>, vector<64x2048xf32>, vector<3x2048xf32> -> vector<3x2048xf32>
    %get3A_85 = arith.constant 0 : index
    %get3A_86 = arith.constant 0 : index
    %get3A_87 = vector.load %arg7[%get3A_85, %get3A_86] : memref<3x1xf32, #tpu.memory_space<vmem>>, vector<3x1xf32>
    %add3A_88 = vector.broadcast %get3A_87 : vector<3x1xf32> to vector<3x2048xf32>
    %add3A_89 = arith.addf %dot_general3A_84, %add3A_88 : vector<3x2048xf32>
    %logistic3A = arith.negf %add3A_89 : vector<3x2048xf32>
    %logistic3A_90 = math.exp %logistic3A : vector<3x2048xf32>
    %logistic3A_91 = arith.constant 1.000000e+00 : f32
    %logistic3A_92 = vector.broadcast %logistic3A_91 : f32 to vector<3x2048xf32>
    %logistic3A_93 = arith.addf %logistic3A_92, %logistic3A_90 : vector<3x2048xf32>
    %logistic3A_94 = arith.divf %logistic3A_92, %logistic3A_93 : vector<3x2048xf32>
    %slice3A_95 = vector.extract_strided_slice %max3A_78 {offsets = [0, 0], sizes = [64, 2048], strides = [1, 1]} : vector<384x2048xf32> to vector<64x2048xf32>
    %swap3A = arith.constant 0 : index
    %swap3A_96 = arith.constant 0 : index
    %swap3A_97 = arith.constant 0 : index
    %swap3A_98 = vector.load %arg8[%swap3A, %swap3A_96, %swap3A_97] : memref<1x64x2048xf32, #tpu.memory_space<vmem>>, vector<1x64x2048xf32>
    %swap3A_99 = vector.shape_cast %swap3A_98 : vector<1x64x2048xf32> to vector<64x2048xf32>
    %swap3A_100 = vector.shape_cast %slice3A_95 : vector<64x2048xf32> to vector<1x64x2048xf32>
    tpu.vector_store %arg8[%swap3A, %swap3A_96, %swap3A_97], %swap3A_100 {strides = array<i32>} : memref<1x64x2048xf32, #tpu.memory_space<vmem>>, vector<1x64x2048xf32>,
    %slice3A_101 = vector.extract_strided_slice %max3A_78 {offsets = [64, 0], sizes = [64, 2048], strides = [1, 1]} : vector<384x2048xf32> to vector<64x2048xf32>
    %swap3A_102 = arith.constant 0 : index
    %swap3A_103 = arith.constant 0 : index
    %swap3A_104 = arith.constant 0 : index
    %swap3A_105 = vector.load %arg9[%swap3A_102, %swap3A_103, %swap3A_104] : memref<1x64x2048xf32, #tpu.memory_space<vmem>>, vector<1x64x2048xf32>
    %swap3A_106 = vector.shape_cast %swap3A_105 : vector<1x64x2048xf32> to vector<64x2048xf32>
    %swap3A_107 = vector.shape_cast %slice3A_101 : vector<64x2048xf32> to vector<1x64x2048xf32>
    tpu.vector_store %arg9[%swap3A_102, %swap3A_103, %swap3A_104], %swap3A_107 {strides = array<i32>} : memref<1x64x2048xf32, #tpu.memory_space<vmem>>, vector<1x64x2048xf32>,
    %slice3A_108 = vector.extract_strided_slice %max3A_78 {offsets = [128, 0], sizes = [64, 2048], strides = [1, 1]} : vector<384x2048xf32> to vector<64x2048xf32>
    %swap3A_109 = arith.constant 0 : index
    %swap3A_110 = arith.constant 0 : index
    %swap3A_111 = arith.constant 0 : index
    %swap3A_112 = vector.load %arg11[%swap3A_109, %swap3A_110, %swap3A_111] : memref<1x64x2048xf32, #tpu.memory_space<vmem>>, vector<1x64x2048xf32>
    %swap3A_113 = vector.shape_cast %swap3A_112 : vector<1x64x2048xf32> to vector<64x2048xf32>
    %swap3A_114 = vector.shape_cast %slice3A_108 : vector<64x2048xf32> to vector<1x64x2048xf32>
    tpu.vector_store %arg11[%swap3A_109, %swap3A_110, %swap3A_111], %swap3A_114 {strides = array<i32>} : memref<1x64x2048xf32, #tpu.memory_space<vmem>>, vector<1x64x2048xf32>,
    %slice3A_115 = vector.extract_strided_slice %max3A_78 {offsets = [192, 0], sizes = [64, 2048], strides = [1, 1]} : vector<384x2048xf32> to vector<64x2048xf32>
    %swap3A_116 = arith.constant 0 : index
    %swap3A_117 = arith.constant 0 : index
    %swap3A_118 = arith.constant 0 : index
    %swap3A_119 = vector.load %arg12[%swap3A_116, %swap3A_117, %swap3A_118] : memref<1x64x2048xf32, #tpu.memory_space<vmem>>, vector<1x64x2048xf32>
    %swap3A_120 = vector.shape_cast %swap3A_119 : vector<1x64x2048xf32> to vector<64x2048xf32>
    %swap3A_121 = vector.shape_cast %slice3A_115 : vector<64x2048xf32> to vector<1x64x2048xf32>
    tpu.vector_store %arg12[%swap3A_116, %swap3A_117, %swap3A_118], %swap3A_121 {strides = array<i32>} : memref<1x64x2048xf32, #tpu.memory_space<vmem>>, vector<1x64x2048xf32>,
    %slice3A_122 = vector.extract_strided_slice %max3A_78 {offsets = [256, 0], sizes = [64, 2048], strides = [1, 1]} : vector<384x2048xf32> to vector<64x2048xf32>
    %swap3A_123 = arith.constant 0 : index
    %swap3A_124 = arith.constant 0 : index
    %swap3A_125 = arith.constant 0 : index
    %swap3A_126 = vector.load %arg13[%swap3A_123, %swap3A_124, %swap3A_125] : memref<1x64x2048xf32, #tpu.memory_space<vmem>>, vector<1x64x2048xf32>
    %swap3A_127 = vector.shape_cast %swap3A_126 : vector<1x64x2048xf32> to vector<64x2048xf32>
    %swap3A_128 = vector.shape_cast %slice3A_122 : vector<64x2048xf32> to vector<1x64x2048xf32>
    tpu.vector_store %arg13[%swap3A_123, %swap3A_124, %swap3A_125], %swap3A_128 {strides = array<i32>} : memref<1x64x2048xf32, #tpu.memory_space<vmem>>, vector<1x64x2048xf32>,
    %swap3A_129 = arith.constant 0 : index
    %swap3A_130 = arith.constant 0 : index
    %swap3A_131 = arith.constant 0 : index
    %swap3A_132 = vector.load %arg10[%swap3A_129, %swap3A_130, %swap3A_131] : memref<1x3x2048xf32, #tpu.memory_space<vmem>>, vector<1x3x2048xf32>
    %swap3A_133 = vector.shape_cast %swap3A_132 : vector<1x3x2048xf32> to vector<3x2048xf32>
    %swap3A_134 = vector.shape_cast %logistic3A_94 : vector<3x2048xf32> to vector<1x3x2048xf32>
    tpu.vector_store %arg10[%swap3A_129, %swap3A_130, %swap3A_131], %swap3A_134 {strides = array<i32>} : memref<1x3x2048xf32, #tpu.memory_space<vmem>>, vector<1x3x2048xf32>,
    return
  }
  func.func @transform_0(%arg0: i32, %arg1: i32) -> (i32, i32, i32) {
    %c0_i32 = arith.constant 0 : i32
    %c0_i32_0 = arith.constant 0 : i32
    %c0_i32_1 = arith.constant 0 : i32
    return %arg0, %c0_i32, %c0_i32_0 : i32, i32, i32
  }
  func.func @transform_1(%arg0: i32, %arg1: i32) -> (i32, i32, i32) {
    %c0_i32 = arith.constant 0 : i32
    %c0_i32_0 = arith.constant 0 : i32
    %c0_i32_1 = arith.constant 0 : i32
    %c0_i32_2 = arith.constant 0 : i32
    return %c0_i32, %c0_i32_0, %c0_i32_1 : i32, i32, i32
  }
  func.func @transform_2(%arg0: i32, %arg1: i32) -> (i32, i32) {
    %c0_i32 = arith.constant 0 : i32
    %c0_i32_0 = arith.constant 0 : i32
    %c0_i32_1 = arith.constant 0 : i32
    return %c0_i32, %c0_i32_0 : i32, i32
  }
  func.func @transform_3(%arg0: i32, %arg1: i32) -> (i32, i32) {
    %c0_i32 = arith.constant 0 : i32
    %c0_i32_0 = arith.constant 0 : i32
    %c0_i32_1 = arith.constant 0 : i32
    return %c0_i32, %c0_i32_0 : i32, i32
  }
  func.func @transform_4(%arg0: i32, %arg1: i32) -> (i32, i32) {
    %c0_i32 = arith.constant 0 : i32
    %c0_i32_0 = arith.constant 0 : i32
    %c0_i32_1 = arith.constant 0 : i32
    return %c0_i32, %c0_i32_0 : i32, i32
  }
  func.func @transform_5(%arg0: i32, %arg1: i32) -> (i32, i32) {
    %c0_i32 = arith.constant 0 : i32
    %c0_i32_0 = arith.constant 0 : i32
    %c0_i32_1 = arith.constant 0 : i32
    return %c0_i32, %c0_i32_0 : i32, i32
  }
  func.func @transform_6(%arg0: i32, %arg1: i32) -> (i32, i32, i32) {
    %c0_i32 = arith.constant 0 : i32
    %c0_i32_0 = arith.constant 0 : i32
    return %arg0, %c0_i32, %arg1 : i32, i32, i32
  }
  func.func @transform_7(%arg0: i32, %arg1: i32) -> (i32, i32, i32) {
    %c0_i32 = arith.constant 0 : i32
    %c0_i32_0 = arith.constant 0 : i32
    return %arg0, %c0_i32, %arg1 : i32, i32, i32
  }
  func.func @transform_8(%arg0: i32, %arg1: i32) -> (i32, i32, i32) {
    %c0_i32 = arith.constant 0 : i32
    %c0_i32_0 = arith.constant 0 : i32
    return %arg0, %c0_i32, %arg1 : i32, i32, i32
  }
  func.func @transform_9(%arg0: i32, %arg1: i32) -> (i32, i32, i32) {
    %c0_i32 = arith.constant 0 : i32
    %c0_i32_0 = arith.constant 0 : i32
    return %arg0, %c0_i32, %arg1 : i32, i32, i32
  }
  func.func @transform_10(%arg0: i32, %arg1: i32) -> (i32, i32, i32) {
    %c0_i32 = arith.constant 0 : i32
    %c0_i32_0 = arith.constant 0 : i32
    return %arg0, %c0_i32, %arg1 : i32, i32, i32
  }
  func.func @transform_11(%arg0: i32, %arg1: i32) -> (i32, i32, i32) {
    %c0_i32 = arith.constant 0 : i32
    %c0_i32_0 = arith.constant 0 : i32
    return %arg0, %c0_i32, %arg1 : i32, i32, i32
  }
}

</mosaic_0001>

<sc_bundles>
// kernel: sparse-core-data-format-call.1.cloned.1.call-start
scs
called_computation.1_lowered:
.L_overlay_start_0:
0x0: {  	s2 =	sld [smem:$0x3FD9]  }
0x1: {  	s3 =	sld [smem:$0x3FFE];
	_ =	sdelay $0x1  }
0x2: {  	s1 =	srdreg.scid  }
0x3: {  	s0 =	sand.u32 $0x1, s1  }
0x4: {  	s16 =	sshll.u32 s0, $0xA;
	s2 =	sadd.s32 s3, s2  }
0x5: {  	s2 =	sadd.s32 s2, s16  }
0x6: {  	[smem:$0x3FAD] =	sst s2  }
0x7: {  	_ = 	snop  }
0x8: {  	s2 =	sld [smem:$0x3FD0];
	_ =	sdelay $0x2  }
0x9: {  	s17 =	simm.s32 $0xE;
	s4 =	simm.s32 $0x10  }
0xa: {  	[smem:s4], [sflag:s17] =	dma.local [hbm:s2], $0x1  }
0xb: {  	_ =	swait.eq [sflag:s17], $0x1  }
0xc: {  	[sflag:s17] =	ssyncset.done $0x0  }
0xd: {  	[sflag:s17] =	ssyncadd.s32 $0xFFFFFFFF  }
0xe: {  	s18 =	sld [smem:$0x14];
	(tm) =	ssettm $0x1  }
0xf: {  	s19 =	sld [smem:$0x3FFB];
	_ =	sdelay $0x3  }
0x10: {  	_ =	strace s19  }
0x11: {  	s2 =	sld [smem:$0x3FFC];
	_ =	sdelay $0x3  }
0x12: {  	_ =	strace s2  }
0x13: {  	s2 =	sld [smem:$0x3FFD];
	_ =	sdelay $0x3  }
0x14: {  	_ =	strace s2  }
0x15: {  	_ =	strace $0x8FFFFFFF  }
0x16: {  	s20 =	sld [smem:$0x3FDB];
	_ =	sdelay $0x1  }
0x17: {  	s21 =	simm.s32 $_scs_section_size  }
0x18: {  	s5 =	simm.s32 $_size__tile_overlayer_lowered;
	s6 =	simm.s32 $_tile_overlayer_lowered  }
0x19: {  	s7 =	simm.s32 $0x1BFF;
	s22 =	sshll.u32 s6, $0x1;
	s4 =	sadd.s32 s21, s20  }
0x1a: {  	s23 =	simm.s32 $0x0;
	s5 =	sshll.u32 s5, $0x1;
	s6 =	sadd.s32 s22, s4  }
0x1b: {  	[timem:s23], [sflag:s7] =	dma.local [hbm:s6], s5  }
0x1c: {  	_ =	swait.ge [sflag:s7], s5  }
0x1d: {  	s5 =	ssub.s32 $0x0, s5;
	[sflag:s7] =	ssyncset.done $0x0  }
0x1e: {  	[sflag:s7] =	ssyncadd.s32 s5;
	_ =	sdelay $0x1  }
0x1f: {  	s24 =	simm.s32 $0x1B8B  }
0x20: {  	_ =	swait.ge [sflag:s24], $0x1  }
0x21: {  	[sflag:s24] =	ssyncset.done $0x0  }
0x22: {  	[sflag:s24] =	ssyncadd.s32 $0xFFFFFFFF  }
0x23: {  	s5 =	sld [smem:$0x0]  }
0x24: {  	s6 =	sand.u32 $0xFFFFFFFE, s1  }
0x25: {  	p0 =	sne.s32 s1, s6  }
0x26: {  	s6 =	sshll.u32 @p0 s6, $0xE  }
0x27: {  	s6 =	sadd.s32 @p0 $0x11B8D, s6;
	s7 =	sshll.u32 @p0 s5, $0x11  }
0x28: {  	s6 =	sor.u32 @p0 s7, s6  }
0x29: {  	[sflag:s6] =	ssyncadd.remote.s32 @p0 $0x1;
	_ =	sdelay $0x1  }
0x2a: {  	s6 =	simm.s32 @p0 $0x1B8D  }
0x2b: {  	_ =	swait.eq @p0 [sflag:s6], $0x1  }
0x2c: {  	[sflag:s6] =	ssyncadd.s32 @p0 $0xFFFFFFFF  }
0x2d: {  	s7 =	sshll.u32 @!p0 s1, $0xE  }
0x2e: {  	s7 =	sor.u32 @!p0 $0x4000, s7;
	s6 =	simm.s32 @!p0 $0x1B8D  }
0x2f: {  	s5 =	sshll.u32 @!p0 s5, $0x11;
	s7 =	sadd.s32 @!p0 $0x11B8D, s7;
	_ =	swait.eq @!p0 [sflag:s6], $0x1  }
0x30: {  	s5 =	sor.u32 @!p0 s5, s7;
	[sflag:s6] =	ssyncadd.s32 @!p0 $0xFFFFFFFF  }
0x31: {  	s26 =	simm.s32 $0x1B8E;
	s25 =	sld [smem:$0x3FFE];
	[sflag:s5] =	ssyncadd.remote.s32 @!p0 $0x1  }
0x32: {  	s27 =	simm.s32 $execute0_lowered;
	[smem:$0x3FD2] =	sst s26  }
0x33: {  	s6 =	sshll.u32 s27, $0x1;
	_ =	strace $0x8000004F;
	[dreg:$0x1] =	wrdreg $0xFFFFFFFF  }
0x34: {  	s28 =	simm.s32 $_size_execute0_lowered;
	s4 =	sadd.s32 s4, s6;
	[dreg:$0x0] =	wrdreg $0x0  }
0x35: {  	s6 =	sshll.u32 s28, $0x1;
	[dreg:$0x2] =	wrdreg s4  }
0x36: {  	[dreg:$0x3] =	wrdreg s6  }
0x37: {  	[dreg:$0x4] =	wrdreg $0xC0  }
0x38: {  	_ =	task [dreg:s23], $0x5FFFF  }
0x39: {  	[dreg:$0x1] =	wrdreg $0xFFFFFFFF  }
0x3a: {  	[dreg:$0x0] =	wrdreg $0x60  }
0x3b: {  	[dreg:$0x2] =	wrdreg s25  }
0x3c: {  	[dreg:$0x3] =	wrdreg s18  }
0x3d: {  	[dreg:$0x4] =	wrdreg $0xA  }
0x3e: {  	_ =	task.clear_ibuf [dreg:s23], $0x5FFFF;
	_ =	strace $0x9000004F  }
0x3f: {  	s29 =	simm.s32 $0xA;
	_ =	strace $0x80000051  }
0x40: {  	_ =	swait.ge [sflag:s29], $0x1  }
0x41: {  	[sflag:s29] =	ssyncadd.s32 $0xFFFFFFFF  }
0x42: {  	_ =	strace $0x90000051  }
0x43: {  	_ =	sfence  }
0x44: {  	s30 =	sld [smem:$0x0];
	_ =	sdelay $0x2  }
0x45: {  	s31 =	sshll.u32 s1, $0xD;
	s1 =	sshrl.u32 s1, $0x2  }
0x46: {  	s4 =	sand.u32 $0x4000, s31;
	s1 =	sadd.s32 s1, s30  }
0x47: {  	s0 =	sor.u32 s4, s0;
	s1 =	sshll.u32 s1, $0x11  }
0x48: {  	s0 =	sor.u32 s1, s0  }
0x49: {  	s0 =	sadd.s32 $0x8F2B, s0  }
0x4a: {  	[sflag:s0] =	ssyncadd.remote.s32 $0x1  }
0x4b: {  	_ =	sfence.sel $0xFFFF  }
0x4c: {  	[dreg:$0x0] =	wrdreg $0xFFFFFFFF;
	(pc) =	sbr.abs _section_cstart, $3  }
0x4d: {  	[dreg:$0x1] =	wrdreg $0xFFFFFFFF  }
0x4e: {  	_ =	task.clear_ibuf [dreg:s23], $0x2FFFF;
	_ =	strace $0x9FFFFFFF  }
0x4f: {  	(tm) =	ssettm $0x7FFFFFFF  }
tec
execute0_lowered:
.L_overlay_start_1:
0x0: {  	(tag) =	ssettag $0x1  }
0x1: {  	s1 =	rddreg [dreg:$0x0]  }
0x2: {  	s2 =	rddreg [dreg:$0x1]  }
0x3: {  	s0 =	rddreg [dreg:$0x2];
	_ =	strace $0x80000050;
	s4 =	srdreg.scid  }
0x4: {  	s6 =	simm.s32 $0x2;
	s11 =	simm.s32 $0x0;
	p0 =	por $0x0, $0x0  }
.Ltmp0:
0x5: {  	s7 =	simm.s32 $0x4000;
	s12 =	simm.s32 $0x0;
	(pc) =	sbr.rel .LBB1_1-.Ltmp0, $4  }
0x6: {  	s9 =	simm.s32 $0x0;
	s3 =	sadd.s32 $0x416000, s1;
	s5 =	sshll.u32 s4, $0x4  }
0x7: {  	s1 =	stileid.u32;
	s4 =	simm.s32 $0x1;
	s5 =	sand.u32 $0x10, s5  }
0x8: {  	s8 =	simm.s32 $0x0;
	[sflag:s4] =	ssyncpa.u1 $0x0;
	s5 =	sor.u32 s1, s5  }
0x9: {  	[sflag:s6] =	ssyncpa.u1 $0x0;
	s6 =	simm.s32 $0x800;
	s10 =	smov.u32 s5  }
.LBB1_7:
0xa: {  	s13 =	sadd.s32 $0x10, s9  }
0xb: {  	s11 =	sadd.s32 $0x20, s10;
	s15 =	smov.u32 s10;
	p2 =	sgt.s32 s13, $0x7F  }
0xc: {  	p1 =	slt.u32 s8, $0x2;
	s15 =	smov.u32 @p2 s11  }
0xd: {  	s8 =	sadd.s32 $0x1, s8;
	s13 =	simm.s32 @p2 $0x0;
	p2 =	sgt.s32 s15, $0x3F  }
0xe: {  	s15 =	smov.u32 @p2 s5;
	p2 =	sne.s32 s8, $0x12  }
.Ltmp1:
0xf: {  	_ = 	snop;
	(pc) =	sbr.rel @!p2 .LBB1_8-.Ltmp1, $4  }
0x10: {  	s14 =	simm.s32 @!p1 $0x2  }
0x11: {  	s12 =	smov.u32 s10;
	_ =	swait.ge @!p1 [sflag:s14], $0x4000  }
0x12: {  	p0 =	por !p0, !p0;
	s11 =	smov.u32 s9;
	[sflag:s14] =	ssyncset.done @!p1 $0x0  }
0x13: {  	s9 =	smov.u32 s13;
	[sflag:s14] =	ssyncadd.s32 @!p1 $0xFFFFC000;
	s10 =	smov.u32 s15  }
.LBB1_1:
0x14: {  	p1 =	sgt.u32 s8, $0xF  }
0x15: {  	s13 =	sxor.u32 @!p1 $0xFFFFFFFF, s8;
	s14 =	sshll.u32 @!p1 s10, $0xE  }
0x16: {  	s15 =	sshll.u32 @!p1 s9, $0x7;
	s13 =	sshll.u32 @!p1 s13, $0xE;
	s14 =	sadd.s32 @!p1 s3, s14  }
0x17: {  	s13 =	sand.u32 @!p1 $0x4000, s13;
	s14 =	sadd.s32 @!p1 s15, s14;
	s15 =	simm.s32 @!p1 $0x0  }
0x18: {  	[tilespmem:s13], [sflag:$0x1] =	stream.linear.gather @!p1 [hbm4b:s14+s15], $0x4000, $0x38;
	[tilespmem:$0x10000] =	vst v63  }
0x19: {  	p1 =	seq.s32 s8, $0x0  }
0x1a: {  	p2 =	seq.s32 @!p1 s8, $0x11  }
0x1b: {  	p1 =	por p1, p2  }
.Ltmp2:
0x1c: {  	_ = 	snop;
	(pc) =	sbr.rel @p1 .LBB1_7-.Ltmp2, $1  }
0x1d: {  	_ =	sdelay $0x3  }
0x1e: {  	s13 =	simm.s32 $0x1;
	_ =	swait.ge [sflag:s4], $0x4000;
	s16 =	sshll.u32 s8, $0xE  }
0x1f: {  	s13 =	simm.s32 @!p0 $0x0;
	[sflag:s4] =	ssyncset.done $0x0;
	s31 =	sand.u32 $0x4000, s16  }
0x20: {  	s16 =	simm.s32 $0x0;
	s14 =	sshll.u32 s13, $0xE;
	[sflag:s4] =	ssyncadd.s32 $0xFFFFC000  }
0x21: {  	s13 =	sor.u32 $0x8040, s14;
	s15 =	sor.u32 $0x40, s14;
	s14 =	sor.u32 $0x8000, s31  }
.LBB1_3:
0x22: {  	v0 =	vmov s15;
	_ =	sdelay $0x3  }
0x23: {  	s18 =	simm.s32 $0x0  }
0x24: {  	v6 =	vld.idx.msk [tilespmem:v0+s18+$0x30 ss:$0x1], $0xffff  }
0x25: {  	v7 =	vld.idx.msk [tilespmem:v0+s18+$0xFFFFFFC0 ss:$0x1], $0xffff  }
0x26: {  	v5 =	vld.idx.msk [tilespmem:v0+s18+$0xFFFFFFD0 ss:$0x1], $0xffff  }
0x27: {  	v4 =	vld.idx.msk [tilespmem:v0+s18+$0xFFFFFFE0 ss:$0x1], $0xffff  }
0x28: {  	v3 =	vld.idx.msk [tilespmem:v0+s18+$0xFFFFFFF0 ss:$0x1], $0xffff  }
0x29: {  	v1 =	vld.idx.msk [tilespmem:v0+s18+$0x0 ss:$0x1], $0xffff  }
0x2a: {  	v2 =	vld.idx.msk [tilespmem:v0+s18+$0x10 ss:$0x1], $0xffff;
	[tilespmem:s13+$0x30] =	vst v6  }
0x2b: {  	s17 =	simm.s32 $0x80;
	s19 =	simm.s32 $0x400;
	[tilespmem:s13+$0xFFFFFFC0] =	vst v7;
	v6 =	vld.idx.msk [tilespmem:v0+s18+$0x20 ss:$0x1], $0xffff;
	s18 =	smov.u32 s13  }
.LBB1_4:
0x2c: {  	p1 =	sne.s32 s19, $0xE00;
	v7 =	vld.idx.msk [tilespmem:v0+s17+$0x30 ss:$0x1], $0xffff;
	[tilespmem:s18+$0xFFFFFFD0] =	vst v5  }
0x2d: {  	v8 =	vld.idx.msk [tilespmem:v0+s17+$0xFFFFFFC0 ss:$0x1], $0xffff;
	[tilespmem:s18+$0xFFFFFFE0] =	vst v4  }
0x2e: {  	v5 =	vld.idx.msk [tilespmem:v0+s17+$0xFFFFFFD0 ss:$0x1], $0xffff;
	[tilespmem:s18+$0xFFFFFFF0] =	vst v3  }
.Ltmp3:
0x2f: {  	v4 =	vld.idx.msk [tilespmem:v0+s17+$0xFFFFFFE0 ss:$0x1], $0xffff;
	[tilespmem:s18+$0x0] =	vst v1;
	(pc) =	sbr.rel @p1 .LBB1_4-.Ltmp3, $4  }
0x30: {  	v3 =	vld.idx.msk [tilespmem:v0+s17+$0xFFFFFFF0 ss:$0x1], $0xffff;
	[tilespmem:s18+$0x10] =	vst v2  }
0x31: {  	v1 =	vld.idx.msk [tilespmem:v0+s17+$0x0 ss:$0x1], $0xffff;
	[tilespmem:s18+$0x20] =	vst v6;
	s18 =	sadd.s32 $0x800, s18  }
0x32: {  	v2 =	vld.idx.msk [tilespmem:v0+s17+$0x10 ss:$0x1], $0xffff;
	[tilespmem:s18+$0x30] =	vst v7  }
0x33: {  	[tilespmem:s18+$0xFFFFFFC0] =	vst v8;
	v6 =	vld.idx.msk [tilespmem:v0+s17+$0x20 ss:$0x1], $0xffff;
	s17 =	sshra.s32 s19, $0x2;
	s19 =	sadd.s32 $0x200, s19  }
0x34: {  	_ =	sdelay $0x2  }
0x35: {  	[tilespmem:s18+$0xFFFFFFD0] =	vst v5  }
0x36: {  	v56 =	vld.idx.msk [tilespmem:v0+s17+$0x30 ss:$0x1], $0xffff;
	[tilespmem:s18+$0xFFFFFFE0] =	vst v4  }
0x37: {  	v57 =	vld.idx.msk [tilespmem:v0+s17+$0xFFFFFFC0 ss:$0x1], $0xffff;
	[tilespmem:s18+$0xFFFFFFF0] =	vst v3  }
0x38: {  	v58 =	vld.idx.msk [tilespmem:v0+s17+$0xFFFFFFD0 ss:$0x1], $0xffff;
	[tilespmem:s18+$0x0] =	vst v1  }
0x39: {  	v59 =	vld.idx.msk [tilespmem:v0+s17+$0xFFFFFFE0 ss:$0x1], $0xffff;
	[tilespmem:s18+$0x10] =	vst v2  }
0x3a: {  	v60 =	vld.idx.msk [tilespmem:v0+s17+$0xFFFFFFF0 ss:$0x1], $0xffff;
	s31 =	sadd.s32 $0x800, s18;
	[tilespmem:s18+$0x20] =	vst v6  }
0x3b: {  	v61 =	vld.idx.msk [tilespmem:v0+s17+$0x0 ss:$0x1], $0xffff;
	[tilespmem:s31+$0x30] =	vst v56  }
0x3c: {  	v62 =	vld.idx.msk [tilespmem:v0+s17+$0x10 ss:$0x1], $0xffff;
	s16 =	sadd.s32 $0x1, s16;
	[tilespmem:s31+$0xFFFFFFC0] =	vst v57  }
0x3d: {  	v63 =	vld.idx.msk [tilespmem:v0+s17+$0x20 ss:$0x1], $0xffff;
	p1 =	sne.s32 s16, $0x10;
	[tilespmem:s31+$0xFFFFFFD0] =	vst v58  }
.Ltmp4:
0x3e: {  	[tilespmem:s31+$0xFFFFFFE0] =	vst v59;
	(pc) =	sbr.rel @p1 .LBB1_3-.Ltmp4, $4  }
0x3f: {  	[tilespmem:s31+$0xFFFFFFF0] =	vst v60  }
0x40: {  	[tilespmem:s31+$0x0] =	vst v61  }
0x41: {  	[tilespmem:s31+$0x10] =	vst v62  }
0x42: {  	s13 =	sadd.s32 $0x80, s13;
	s15 =	sadd.s32 $0x400, s15;
	[tilespmem:s31+$0x20] =	vst v63  }
.Ltmp5:
0x43: {  	(pc) =	sbr.rel .LBB1_7-.Ltmp5, $4  }
0x44: {  	s12 =	sshll.u32 s12, $0xE;
	s11 =	sshll.u32 s11, $0x4  }
0x45: {  	s11 =	sand.u32 $0x7F0, s11;
	s12 =	sadd.s32 s2, s12  }
0x46: {  	s11 =	sadd.s32 s11, s12  }
0x47: {  	[hbm4b:s11+s6] =	stream.strided.scatter [tilespmem:s14], [sflag:$0x2], $0x4000, s7, s6, $0x38;
	[tilespmem:$0x10000] =	vst v63  }
.LBB1_8:
0x48: {  	_ =	sfence.sel $0x180000  }
0x49: {  	s2 =	simm.s32 $0x1;
	[bflag:$0x0] =	sbarrier.arrive $0xFFFF  }
0x4a: {  	s31 =	simm.s32 $0x2;
	[sflag:s2] =	ssyncpa.u1 $0x1  }
0x4b: {  	[sflag:s31] =	ssyncpa.u1 $0x1  }
0x4c: {  	p0 =	sne.s32 s1, $0x0;
	_ =	strace $0x90000050  }
0x4d: {  	s0 =	sadd.s32 @!p0 $0x100000, s0;
	[bflag:$0x2] =	sbarrier.arrive $0xFFFF  }
0x4e: {  	[sflag:s0] =	ssyncadd.tile.s32 @!p0 $0x1;
	_ =	shalt  }
.Lfunc_end1:
_tile_overlayer_lowered:
.L_overlay_start_2:
0x4f: {  	(tag) =	ssettag $0x2  }
0x50: {  	s0 =	rddreg [dreg:$0x0];
	s2 =	stileid.u32  }
0x51: {  	s1 =	rddreg [dreg:$0x1];
	p0 =	sne.s32 s2, $0x0  }
0x52: {  	s3 =	rddreg [dreg:$0x2];
	[bflag:$0x3] =	sbarrier.arrive $0xFFFF;
	s2 =	simm.s32 @!p0 $0x1C01  }
0x53: {  	[timem:s3], [sflag:s2] =	dma.local @!p0 [hbm:s0], s1  }
0x54: {  	s0 =	simm.s32 @!p0 $0x1  }
0x55: {  	_ =	swait.ge @!p0 [sflag:s0], s1  }
0x56: {  	s1 =	ssub.s32 @!p0 $0x0, s1;
	[sflag:s0] =	ssyncset.done @!p0 $0x0  }
0x57: {  	[sflag:s0] =	ssyncadd.s32 @!p0 s1  }
0x58: {  	[bflag:$0x3] =	sbarrier.arrive $0xFFFF  }
0x59: {  	_ =	shalt  }

// kernel: sparse-core-data-format-call.2.cloned.1.call-start
scs
called_computation.2_lowered:
.L_overlay_start_0:
0x0: {  	s2 =	sld [smem:$0x3FD9]  }
0x1: {  	s3 =	sld [smem:$0x3FFE];
	_ =	sdelay $0x1  }
0x2: {  	s1 =	srdreg.scid  }
0x3: {  	s0 =	sand.u32 $0x1, s1  }
0x4: {  	s16 =	sshll.u32 s0, $0xA;
	s2 =	sadd.s32 s3, s2  }
0x5: {  	s2 =	sadd.s32 s2, s16  }
0x6: {  	[smem:$0x3FAD] =	sst s2  }
0x7: {  	_ = 	snop  }
0x8: {  	s2 =	sld [smem:$0x3FD0];
	_ =	sdelay $0x2  }
0x9: {  	s17 =	simm.s32 $0xE;
	s4 =	simm.s32 $0x10  }
0xa: {  	[smem:s4], [sflag:s17] =	dma.local [hbm:s2], $0x1  }
0xb: {  	_ =	swait.eq [sflag:s17], $0x1  }
0xc: {  	[sflag:s17] =	ssyncset.done $0x0  }
0xd: {  	[sflag:s17] =	ssyncadd.s32 $0xFFFFFFFF  }
0xe: {  	s18 =	sld [smem:$0x13];
	(tm) =	ssettm $0x1  }
0xf: {  	s19 =	sld [smem:$0x3FFB];
	_ =	sdelay $0x3  }
0x10: {  	_ =	strace s19  }
0x11: {  	s2 =	sld [smem:$0x3FFC];
	_ =	sdelay $0x3  }
0x12: {  	_ =	strace s2  }
0x13: {  	s2 =	sld [smem:$0x3FFD];
	_ =	sdelay $0x3  }
0x14: {  	_ =	strace s2  }
0x15: {  	_ =	strace $0x8FFFFFFF  }
0x16: {  	s20 =	sld [smem:$0x3FDB];
	_ =	sdelay $0x1  }
0x17: {  	s21 =	simm.s32 $_scs_section_size  }
0x18: {  	s5 =	simm.s32 $_size__tile_overlayer_lowered;
	s6 =	simm.s32 $_tile_overlayer_lowered  }
0x19: {  	s7 =	simm.s32 $0x1BFF;
	s22 =	sshll.u32 s6, $0x1;
	s4 =	sadd.s32 s21, s20  }
0x1a: {  	s23 =	simm.s32 $0x0;
	s5 =	sshll.u32 s5, $0x1;
	s6 =	sadd.s32 s22, s4  }
0x1b: {  	[timem:s23], [sflag:s7] =	dma.local [hbm:s6], s5  }
0x1c: {  	_ =	swait.ge [sflag:s7], s5  }
0x1d: {  	s5 =	ssub.s32 $0x0, s5;
	[sflag:s7] =	ssyncset.done $0x0  }
0x1e: {  	[sflag:s7] =	ssyncadd.s32 s5;
	_ =	sdelay $0x1  }
0x1f: {  	s24 =	simm.s32 $0x1B8B  }
0x20: {  	_ =	swait.ge [sflag:s24], $0x1  }
0x21: {  	[sflag:s24] =	ssyncset.done $0x0  }
0x22: {  	[sflag:s24] =	ssyncadd.s32 $0xFFFFFFFF  }
0x23: {  	s5 =	sld [smem:$0x0]  }
0x24: {  	s6 =	sand.u32 $0xFFFFFFFE, s1  }
0x25: {  	p0 =	sne.s32 s1, s6  }
0x26: {  	s6 =	sshll.u32 @p0 s6, $0xE  }
0x27: {  	s6 =	sadd.s32 @p0 $0x11B8D, s6;
	s7 =	sshll.u32 @p0 s5, $0x11  }
0x28: {  	s6 =	sor.u32 @p0 s7, s6  }
0x29: {  	[sflag:s6] =	ssyncadd.remote.s32 @p0 $0x1;
	_ =	sdelay $0x1  }
0x2a: {  	s6 =	simm.s32 @p0 $0x1B8D  }
0x2b: {  	_ =	swait.eq @p0 [sflag:s6], $0x1  }
0x2c: {  	[sflag:s6] =	ssyncadd.s32 @p0 $0xFFFFFFFF  }
0x2d: {  	s7 =	sshll.u32 @!p0 s1, $0xE  }
0x2e: {  	s7 =	sor.u32 @!p0 $0x4000, s7;
	s6 =	simm.s32 @!p0 $0x1B8D  }
0x2f: {  	s5 =	sshll.u32 @!p0 s5, $0x11;
	s7 =	sadd.s32 @!p0 $0x11B8D, s7;
	_ =	swait.eq @!p0 [sflag:s6], $0x1  }
0x30: {  	s5 =	sor.u32 @!p0 s5, s7;
	[sflag:s6] =	ssyncadd.s32 @!p0 $0xFFFFFFFF  }
0x31: {  	s26 =	simm.s32 $0x1B8E;
	s25 =	sld [smem:$0x3FFE];
	[sflag:s5] =	ssyncadd.remote.s32 @!p0 $0x1  }
0x32: {  	s27 =	simm.s32 $execute0_lowered;
	[smem:$0x3FD2] =	sst s26  }
0x33: {  	s6 =	sshll.u32 s27, $0x1;
	_ =	strace $0x8000004C;
	[dreg:$0x1] =	wrdreg $0xFFFFFFFF  }
0x34: {  	s28 =	simm.s32 $_size_execute0_lowered;
	s4 =	sadd.s32 s4, s6;
	[dreg:$0x0] =	wrdreg $0x0  }
0x35: {  	s6 =	sshll.u32 s28, $0x1;
	[dreg:$0x2] =	wrdreg s4  }
0x36: {  	[dreg:$0x3] =	wrdreg s6  }
0x37: {  	[dreg:$0x4] =	wrdreg $0xC0  }
0x38: {  	_ =	task [dreg:s23], $0x5FFFF  }
0x39: {  	[dreg:$0x1] =	wrdreg $0xFFFFFFFF  }
0x3a: {  	[dreg:$0x0] =	wrdreg $0x60  }
0x3b: {  	[dreg:$0x2] =	wrdreg s25  }
0x3c: {  	[dreg:$0x3] =	wrdreg s18  }
0x3d: {  	[dreg:$0x4] =	wrdreg $0xB  }
0x3e: {  	_ =	task.clear_ibuf [dreg:s23], $0x5FFFF;
	_ =	strace $0x9000004C  }
0x3f: {  	s29 =	simm.s32 $0xB;
	_ =	strace $0x8000004E  }
0x40: {  	_ =	swait.ge [sflag:s29], $0x1  }
0x41: {  	[sflag:s29] =	ssyncadd.s32 $0xFFFFFFFF  }
0x42: {  	_ =	strace $0x9000004E  }
0x43: {  	_ =	sfence  }
0x44: {  	s30 =	sld [smem:$0x0];
	_ =	sdelay $0x2  }
0x45: {  	s31 =	sshll.u32 s1, $0xD;
	s1 =	sshrl.u32 s1, $0x2  }
0x46: {  	s4 =	sand.u32 $0x4000, s31;
	s1 =	sadd.s32 s1, s30  }
0x47: {  	s0 =	sor.u32 s4, s0;
	s1 =	sshll.u32 s1, $0x11  }
0x48: {  	s0 =	sor.u32 s1, s0  }
0x49: {  	s0 =	sadd.s32 $0x8F2B, s0  }
0x4a: {  	[sflag:s0] =	ssyncadd.remote.s32 $0x1  }
0x4b: {  	_ =	sfence.sel $0xFFFF  }
0x4c: {  	[dreg:$0x0] =	wrdreg $0xFFFFFFFF;
	(pc) =	sbr.abs _section_cstart, $3  }
0x4d: {  	[dreg:$0x1] =	wrdreg $0xFFFFFFFF  }
0x4e: {  	_ =	task.clear_ibuf [dreg:s23], $0x2FFFF;
	_ =	strace $0x9FFFFFFF  }
0x4f: {  	(tm) =	ssettm $0x7FFFFFFF  }
tec
execute0_lowered:
.L_overlay_start_1:
0x0: {  	(tag) =	ssettag $0x1  }
0x1: {  	s1 =	rddreg [dreg:$0x0]  }
0x2: {  	s2 =	rddreg [dreg:$0x1]  }
0x3: {  	s0 =	rddreg [dreg:$0x2];
	_ =	strace $0x8000004D;
	s4 =	srdreg.scid  }
0x4: {  	s6 =	simm.s32 $0x2;
	s11 =	simm.s32 $0x0;
	p0 =	por $0x0, $0x0  }
.Ltmp0:
0x5: {  	s7 =	simm.s32 $0x4000;
	s12 =	simm.s32 $0x0;
	(pc) =	sbr.rel .LBB1_1-.Ltmp0, $4  }
0x6: {  	s9 =	simm.s32 $0x0;
	s3 =	sadd.s32 $0x316000, s1;
	s5 =	sshll.u32 s4, $0x4  }
0x7: {  	s1 =	stileid.u32;
	s4 =	simm.s32 $0x1;
	s5 =	sand.u32 $0x10, s5  }
0x8: {  	s8 =	simm.s32 $0x0;
	[sflag:s4] =	ssyncpa.u1 $0x0;
	s5 =	sor.u32 s1, s5  }
0x9: {  	[sflag:s6] =	ssyncpa.u1 $0x0;
	s6 =	simm.s32 $0x800;
	s10 =	smov.u32 s5  }
.LBB1_7:
0xa: {  	s13 =	sadd.s32 $0x10, s9  }
0xb: {  	s11 =	sadd.s32 $0x20, s10;
	s15 =	smov.u32 s10;
	p2 =	sgt.s32 s13, $0x7F  }
0xc: {  	p1 =	slt.u32 s8, $0x2;
	s15 =	smov.u32 @p2 s11  }
0xd: {  	s8 =	sadd.s32 $0x1, s8;
	s13 =	simm.s32 @p2 $0x0;
	p2 =	sgt.s32 s15, $0x3F  }
0xe: {  	s15 =	smov.u32 @p2 s5;
	p2 =	sne.s32 s8, $0x12  }
.Ltmp1:
0xf: {  	_ = 	snop;
	(pc) =	sbr.rel @!p2 .LBB1_8-.Ltmp1, $4  }
0x10: {  	s14 =	simm.s32 @!p1 $0x2  }
0x11: {  	s12 =	smov.u32 s10;
	_ =	swait.ge @!p1 [sflag:s14], $0x4000  }
0x12: {  	p0 =	por !p0, !p0;
	s11 =	smov.u32 s9;
	[sflag:s14] =	ssyncset.done @!p1 $0x0  }
0x13: {  	s9 =	smov.u32 s13;
	[sflag:s14] =	ssyncadd.s32 @!p1 $0xFFFFC000;
	s10 =	smov.u32 s15  }
.LBB1_1:
0x14: {  	p1 =	sgt.u32 s8, $0xF  }
0x15: {  	s13 =	sxor.u32 @!p1 $0xFFFFFFFF, s8;
	s14 =	sshll.u32 @!p1 s10, $0xE  }
0x16: {  	s15 =	sshll.u32 @!p1 s9, $0x7;
	s13 =	sshll.u32 @!p1 s13, $0xE;
	s14 =	sadd.s32 @!p1 s3, s14  }
0x17: {  	s13 =	sand.u32 @!p1 $0x4000, s13;
	s14 =	sadd.s32 @!p1 s15, s14;
	s15 =	simm.s32 @!p1 $0x0  }
0x18: {  	[tilespmem:s13], [sflag:$0x1] =	stream.linear.gather @!p1 [hbm4b:s14+s15], $0x4000, $0x38;
	[tilespmem:$0x10000] =	vst v63  }
0x19: {  	p1 =	seq.s32 s8, $0x0  }
0x1a: {  	p2 =	seq.s32 @!p1 s8, $0x11  }
0x1b: {  	p1 =	por p1, p2  }
.Ltmp2:
0x1c: {  	_ = 	snop;
	(pc) =	sbr.rel @p1 .LBB1_7-.Ltmp2, $1  }
0x1d: {  	_ =	sdelay $0x3  }
0x1e: {  	s13 =	simm.s32 $0x1;
	_ =	swait.ge [sflag:s4], $0x4000;
	s16 =	sshll.u32 s8, $0xE  }
0x1f: {  	s13 =	simm.s32 @!p0 $0x0;
	[sflag:s4] =	ssyncset.done $0x0;
	s31 =	sand.u32 $0x4000, s16  }
0x20: {  	s16 =	simm.s32 $0x0;
	s14 =	sshll.u32 s13, $0xE;
	[sflag:s4] =	ssyncadd.s32 $0xFFFFC000  }
0x21: {  	s13 =	sor.u32 $0x8040, s14;
	s15 =	sor.u32 $0x40, s14;
	s14 =	sor.u32 $0x8000, s31  }
.LBB1_3:
0x22: {  	v0 =	vmov s15;
	_ =	sdelay $0x3  }
0x23: {  	s18 =	simm.s32 $0x0  }
0x24: {  	v6 =	vld.idx.msk [tilespmem:v0+s18+$0x30 ss:$0x1], $0xffff  }
0x25: {  	v7 =	vld.idx.msk [tilespmem:v0+s18+$0xFFFFFFC0 ss:$0x1], $0xffff  }
0x26: {  	v5 =	vld.idx.msk [tilespmem:v0+s18+$0xFFFFFFD0 ss:$0x1], $0xffff  }
0x27: {  	v4 =	vld.idx.msk [tilespmem:v0+s18+$0xFFFFFFE0 ss:$0x1], $0xffff  }
0x28: {  	v3 =	vld.idx.msk [tilespmem:v0+s18+$0xFFFFFFF0 ss:$0x1], $0xffff  }
0x29: {  	v1 =	vld.idx.msk [tilespmem:v0+s18+$0x0 ss:$0x1], $0xffff  }
0x2a: {  	v2 =	vld.idx.msk [tilespmem:v0+s18+$0x10 ss:$0x1], $0xffff;
	[tilespmem:s13+$0x30] =	vst v6  }
0x2b: {  	s17 =	simm.s32 $0x80;
	s19 =	simm.s32 $0x400;
	[tilespmem:s13+$0xFFFFFFC0] =	vst v7;
	v6 =	vld.idx.msk [tilespmem:v0+s18+$0x20 ss:$0x1], $0xffff;
	s18 =	smov.u32 s13  }
.LBB1_4:
0x2c: {  	p1 =	sne.s32 s19, $0xE00;
	v7 =	vld.idx.msk [tilespmem:v0+s17+$0x30 ss:$0x1], $0xffff;
	[tilespmem:s18+$0xFFFFFFD0] =	vst v5  }
0x2d: {  	v8 =	vld.idx.msk [tilespmem:v0+s17+$0xFFFFFFC0 ss:$0x1], $0xffff;
	[tilespmem:s18+$0xFFFFFFE0] =	vst v4  }
0x2e: {  	v5 =	vld.idx.msk [tilespmem:v0+s17+$0xFFFFFFD0 ss:$0x1], $0xffff;
	[tilespmem:s18+$0xFFFFFFF0] =	vst v3  }
.Ltmp3:
0x2f: {  	v4 =	vld.idx.msk [tilespmem:v0+s17+$0xFFFFFFE0 ss:$0x1], $0xffff;
	[tilespmem:s18+$0x0] =	vst v1;
	(pc) =	sbr.rel @p1 .LBB1_4-.Ltmp3, $4  }
0x30: {  	v3 =	vld.idx.msk [tilespmem:v0+s17+$0xFFFFFFF0 ss:$0x1], $0xffff;
	[tilespmem:s18+$0x10] =	vst v2  }
0x31: {  	v1 =	vld.idx.msk [tilespmem:v0+s17+$0x0 ss:$0x1], $0xffff;
	[tilespmem:s18+$0x20] =	vst v6;
	s18 =	sadd.s32 $0x800, s18  }
0x32: {  	v2 =	vld.idx.msk [tilespmem:v0+s17+$0x10 ss:$0x1], $0xffff;
	[tilespmem:s18+$0x30] =	vst v7  }
0x33: {  	[tilespmem:s18+$0xFFFFFFC0] =	vst v8;
	v6 =	vld.idx.msk [tilespmem:v0+s17+$0x20 ss:$0x1], $0xffff;
	s17 =	sshra.s32 s19, $0x2;
	s19 =	sadd.s32 $0x200, s19  }
0x34: {  	_ =	sdelay $0x2  }
0x35: {  	[tilespmem:s18+$0xFFFFFFD0] =	vst v5  }
0x36: {  	v56 =	vld.idx.msk [tilespmem:v0+s17+$0x30 ss:$0x1], $0xffff;
	[tilespmem:s18+$0xFFFFFFE0] =	vst v4  }
0x37: {  	v57 =	vld.idx.msk [tilespmem:v0+s17+$0xFFFFFFC0 ss:$0x1], $0xffff;
	[tilespmem:s18+$0xFFFFFFF0] =	vst v3  }
0x38: {  	v58 =	vld.idx.msk [tilespmem:v0+s17+$0xFFFFFFD0 ss:$0x1], $0xffff;
	[tilespmem:s18+$0x0] =	vst v1  }
0x39: {  	v59 =	vld.idx.msk [tilespmem:v0+s17+$0xFFFFFFE0 ss:$0x1], $0xffff;
	[tilespmem:s18+$0x10] =	vst v2  }
0x3a: {  	v60 =	vld.idx.msk [tilespmem:v0+s17+$0xFFFFFFF0 ss:$0x1], $0xffff;
	s31 =	sadd.s32 $0x800, s18;
	[tilespmem:s18+$0x20] =	vst v6  }
0x3b: {  	v61 =	vld.idx.msk [tilespmem:v0+s17+$0x0 ss:$0x1], $0xffff;
	[tilespmem:s31+$0x30] =	vst v56  }
0x3c: {  	v62 =	vld.idx.msk [tilespmem:v0+s17+$0x10 ss:$0x1], $0xffff;
	s16 =	sadd.s32 $0x1, s16;
	[tilespmem:s31+$0xFFFFFFC0] =	vst v57  }
0x3d: {  	v63 =	vld.idx.msk [tilespmem:v0+s17+$0x20 ss:$0x1], $0xffff;
	p1 =	sne.s32 s16, $0x10;
	[tilespmem:s31+$0xFFFFFFD0] =	vst v58  }
.Ltmp4:
0x3e: {  	[tilespmem:s31+$0xFFFFFFE0] =	vst v59;
	(pc) =	sbr.rel @p1 .LBB1_3-.Ltmp4, $4  }
0x3f: {  	[tilespmem:s31+$0xFFFFFFF0] =	vst v60  }
0x40: {  	[tilespmem:s31+$0x0] =	vst v61  }
0x41: {  	[tilespmem:s31+$0x10] =	vst v62  }
0x42: {  	s13 =	sadd.s32 $0x80, s13;
	s15 =	sadd.s32 $0x400, s15;
	[tilespmem:s31+$0x20] =	vst v63  }
.Ltmp5:
0x43: {  	(pc) =	sbr.rel .LBB1_7-.Ltmp5, $4  }
0x44: {  	s12 =	sshll.u32 s12, $0xE;
	s11 =	sshll.u32 s11, $0x4  }
0x45: {  	s11 =	sand.u32 $0x7F0, s11;
	s12 =	sadd.s32 s2, s12  }
0x46: {  	s11 =	sadd.s32 s11, s12  }
0x47: {  	[hbm4b:s11+s6] =	stream.strided.scatter [tilespmem:s14], [sflag:$0x2], $0x4000, s7, s6, $0x38;
	[tilespmem:$0x10000] =	vst v63  }
.LBB1_8:
0x48: {  	_ =	sfence.sel $0x180000  }
0x49: {  	s2 =	simm.s32 $0x1;
	[bflag:$0x0] =	sbarrier.arrive $0xFFFF  }
0x4a: {  	s31 =	simm.s32 $0x2;
	[sflag:s2] =	ssyncpa.u1 $0x1  }
0x4b: {  	[sflag:s31] =	ssyncpa.u1 $0x1  }
0x4c: {  	p0 =	sne.s32 s1, $0x0;
	_ =	strace $0x9000004D  }
0x4d: {  	s0 =	sadd.s32 @!p0 $0x100000, s0;
	[bflag:$0x2] =	sbarrier.arrive $0xFFFF  }
0x4e: {  	[sflag:s0] =	ssyncadd.tile.s32 @!p0 $0x1;
	_ =	shalt  }
.Lfunc_end1:
_tile_overlayer_lowered:
.L_overlay_start_2:
0x4f: {  	(tag) =	ssettag $0x2  }
0x50: {  	s0 =	rddreg [dreg:$0x0];
	s2 =	stileid.u32  }
0x51: {  	s1 =	rddreg [dreg:$0x1];
	p0 =	sne.s32 s2, $0x0  }
0x52: {  	s3 =	rddreg [dreg:$0x2];
	[bflag:$0x3] =	sbarrier.arrive $0xFFFF;
	s2 =	simm.s32 @!p0 $0x1C01  }
0x53: {  	[timem:s3], [sflag:s2] =	dma.local @!p0 [hbm:s0], s1  }
0x54: {  	s0 =	simm.s32 @!p0 $0x1  }
0x55: {  	_ =	swait.ge @!p0 [sflag:s0], s1  }
0x56: {  	s1 =	ssub.s32 @!p0 $0x0, s1;
	[sflag:s0] =	ssyncset.done @!p0 $0x0  }
0x57: {  	[sflag:s0] =	ssyncadd.s32 @!p0 s1  }
0x58: {  	[bflag:$0x3] =	sbarrier.arrive $0xFFFF  }
0x59: {  	_ =	shalt  }

// kernel: sparse-core-data-format-call.3.cloned.1.call-start
scs
called_computation.3_lowered:
.L_overlay_start_0:
0x0: {  	s2 =	sld [smem:$0x3FD9]  }
0x1: {  	s3 =	sld [smem:$0x3FFE];
	_ =	sdelay $0x1  }
0x2: {  	s1 =	srdreg.scid  }
0x3: {  	s0 =	sand.u32 $0x1, s1  }
0x4: {  	s15 =	sshll.u32 s0, $0xA;
	s2 =	sadd.s32 s3, s2  }
0x5: {  	s2 =	sadd.s32 s2, s15  }
0x6: {  	[smem:$0x3FAD] =	sst s2  }
0x7: {  	_ = 	snop  }
0x8: {  	s2 =	sld [smem:$0x3FD0];
	_ =	sdelay $0x2  }
0x9: {  	s16 =	simm.s32 $0xE;
	s4 =	simm.s32 $0x10  }
0xa: {  	[smem:s4], [sflag:s16] =	dma.local [hbm:s2], $0x1  }
0xb: {  	_ =	swait.eq [sflag:s16], $0x1  }
0xc: {  	[sflag:s16] =	ssyncset.done $0x0  }
0xd: {  	[sflag:s16] =	ssyncadd.s32 $0xFFFFFFFF  }
0xe: {  	s17 =	sld [smem:$0x11];
	(tm) =	ssettm $0x1  }
0xf: {  	s18 =	sld [smem:$0x3FFB];
	_ =	sdelay $0x3  }
0x10: {  	_ =	strace s18  }
0x11: {  	s3 =	sld [smem:$0x3FFC];
	_ =	sdelay $0x3  }
0x12: {  	_ =	strace s3  }
0x13: {  	s3 =	sld [smem:$0x3FFD];
	_ =	sdelay $0x3  }
0x14: {  	_ =	strace s3  }
0x15: {  	_ =	strace $0x8FFFFFFF  }
0x16: {  	s19 =	sld [smem:$0x3FDB];
	_ =	sdelay $0x1  }
0x17: {  	s20 =	simm.s32 $_scs_section_size  }
0x18: {  	s5 =	simm.s32 $_size__tile_overlayer_lowered;
	s6 =	simm.s32 $_tile_overlayer_lowered  }
0x19: {  	s23 =	simm.s32 $0x1BFF;
	s22 =	sshll.u32 s6, $0x1;
	s3 =	sadd.s32 s20, s19  }
0x1a: {  	s7 =	simm.s32 $0x0;
	s21 =	sshll.u32 s5, $0x1;
	s5 =	sadd.s32 s22, s3  }
0x1b: {  	[timem:s7], [sflag:s23] =	dma.local [hbm:s5], s21  }
0x1c: {  	_ =	swait.ge [sflag:s23], s21  }
0x1d: {  	s4 =	ssub.s32 $0x0, s21;
	[sflag:s23] =	ssyncset.done $0x0  }
0x1e: {  	[sflag:s23] =	ssyncadd.s32 s4;
	_ =	sdelay $0x1  }
0x1f: {  	s24 =	simm.s32 $0x1B8B  }
0x20: {  	_ =	swait.ge [sflag:s24], $0x1  }
0x21: {  	[sflag:s24] =	ssyncset.done $0x0  }
0x22: {  	s26 =	simm.s32 $0x1B8E;
	s25 =	sld [smem:$0x3FFE];
	[sflag:s24] =	ssyncadd.s32 $0xFFFFFFFF  }
0x23: {  	s27 =	simm.s32 $execute0_lowered;
	[smem:$0x3FD2] =	sst s26  }
0x24: {  	s5 =	sshll.u32 s27, $0x1;
	_ =	strace $0x80000046;
	[dreg:$0x1] =	wrdreg $0xFFFFFFFF  }
0x25: {  	s28 =	simm.s32 $_size_execute0_lowered;
	s3 =	sadd.s32 s3, s5;
	[dreg:$0x0] =	wrdreg $0x0  }
0x26: {  	s5 =	sshll.u32 s28, $0x1;
	[dreg:$0x2] =	wrdreg s3  }
0x27: {  	[dreg:$0x3] =	wrdreg s5  }
0x28: {  	[dreg:$0x4] =	wrdreg $0xC0  }
0x29: {  	_ =	task [dreg:s7], $0x5FFFF  }
0x2a: {  	[dreg:$0x1] =	wrdreg $0xFFFFFFFF  }
0x2b: {  	[dreg:$0x0] =	wrdreg $0x60  }
0x2c: {  	[dreg:$0x2] =	wrdreg s25  }
0x2d: {  	[dreg:$0x3] =	wrdreg s17  }
0x2e: {  	[dreg:$0x4] =	wrdreg $0xC  }
0x2f: {  	_ =	task.clear_ibuf [dreg:s7], $0x5FFFF;
	_ =	strace $0x90000046  }
0x30: {  	s29 =	simm.s32 $0xC;
	_ =	strace $0x80000048  }
0x31: {  	_ =	swait.ge [sflag:s29], $0x1  }
0x32: {  	[sflag:s29] =	ssyncadd.s32 $0xFFFFFFFF  }
0x33: {  	_ =	strace $0x90000048  }
0x34: {  	_ =	sfence  }
0x35: {  	s30 =	sld [smem:$0x0];
	_ =	sdelay $0x2  }
0x36: {  	s31 =	sshll.u32 s1, $0xD;
	s1 =	sshrl.u32 s1, $0x2  }
0x37: {  	s3 =	sand.u32 $0x4000, s31;
	s1 =	sadd.s32 s1, s30  }
0x38: {  	s0 =	sor.u32 s3, s0;
	s1 =	sshll.u32 s1, $0x11  }
0x39: {  	s0 =	sor.u32 s1, s0  }
0x3a: {  	s0 =	sadd.s32 $0x8F2B, s0  }
0x3b: {  	[sflag:s0] =	ssyncadd.remote.s32 $0x1  }
0x3c: {  	_ =	sfence.sel $0xFFFF  }
0x3d: {  	[dreg:$0x0] =	wrdreg $0xFFFFFFFF;
	(pc) =	sbr.abs _section_cstart, $3  }
0x3e: {  	[dreg:$0x1] =	wrdreg $0xFFFFFFFF  }
0x3f: {  	_ =	task.clear_ibuf [dreg:s7], $0x2FFFF;
	_ =	strace $0x9FFFFFFF  }
0x40: {  	(tm) =	ssettm $0x7FFFFFFF  }
0x41: {  	_ =	shalt  }
tec
execute0_lowered:
.L_overlay_start_1:
0x0: {  	(tag) =	ssettag $0x1  }
0x1: {  	s1 =	rddreg [dreg:$0x0]  }
0x2: {  	s2 =	rddreg [dreg:$0x1]  }
0x3: {  	s0 =	rddreg [dreg:$0x2];
	_ =	strace $0x80000047;
	s4 =	srdreg.scid  }
0x4: {  	s6 =	simm.s32 $0x2;
	s11 =	simm.s32 $0x0;
	p0 =	por $0x0, $0x0  }
.Ltmp0:
0x5: {  	s7 =	simm.s32 $0x4000;
	s12 =	simm.s32 $0x0;
	(pc) =	sbr.rel .LBB1_1-.Ltmp0, $4  }
0x6: {  	s9 =	simm.s32 $0x0;
	s3 =	sadd.s32 $0x2000, s1;
	s5 =	sshll.u32 s4, $0x4  }
0x7: {  	s1 =	stileid.u32;
	s4 =	simm.s32 $0x1;
	s5 =	sand.u32 $0x10, s5  }
0x8: {  	s8 =	simm.s32 $0x0;
	[sflag:s4] =	ssyncpa.u1 $0x0;
	s5 =	sor.u32 s1, s5  }
0x9: {  	[sflag:s6] =	ssyncpa.u1 $0x0;
	s6 =	simm.s32 $0x800;
	s10 =	smov.u32 s5  }
.LBB1_7:
0xa: {  	s13 =	sadd.s32 $0x10, s9  }
0xb: {  	s11 =	sadd.s32 $0x20, s10;
	s15 =	smov.u32 s10;
	p2 =	sgt.s32 s13, $0x7F  }
0xc: {  	p1 =	slt.u32 s8, $0x2;
	s15 =	smov.u32 @p2 s11  }
0xd: {  	s8 =	sadd.s32 $0x1, s8;
	s13 =	simm.s32 @p2 $0x0;
	p2 =	sgt.s32 s15, $0x3F  }
0xe: {  	s15 =	smov.u32 @p2 s5;
	p2 =	sne.s32 s8, $0x12  }
.Ltmp1:
0xf: {  	_ = 	snop;
	(pc) =	sbr.rel @!p2 .LBB1_8-.Ltmp1, $4  }
0x10: {  	s14 =	simm.s32 @!p1 $0x2  }
0x11: {  	s12 =	smov.u32 s10;
	_ =	swait.ge @!p1 [sflag:s14], $0x4000  }
0x12: {  	p0 =	por !p0, !p0;
	s11 =	smov.u32 s9;
	[sflag:s14] =	ssyncset.done @!p1 $0x0  }
0x13: {  	s9 =	smov.u32 s13;
	[sflag:s14] =	ssyncadd.s32 @!p1 $0xFFFFC000;
	s10 =	smov.u32 s15  }
.LBB1_1:
0x14: {  	p1 =	sgt.u32 s8, $0xF  }
0x15: {  	s13 =	sxor.u32 @!p1 $0xFFFFFFFF, s8;
	s14 =	sshll.u32 @!p1 s10, $0xE  }
0x16: {  	s15 =	sshll.u32 @!p1 s9, $0x7;
	s13 =	sshll.u32 @!p1 s13, $0xE;
	s14 =	sadd.s32 @!p1 s3, s14  }
0x17: {  	s13 =	sand.u32 @!p1 $0x4000, s13;
	s14 =	sadd.s32 @!p1 s15, s14;
	s15 =	simm.s32 @!p1 $0x0  }
0x18: {  	[tilespmem:s13], [sflag:$0x1] =	stream.linear.gather @!p1 [hbm4b:s14+s15], $0x4000, $0x38;
	[tilespmem:$0x10000] =	vst v63  }
0x19: {  	p1 =	seq.s32 s8, $0x0  }
0x1a: {  	p2 =	seq.s32 @!p1 s8, $0x11  }
0x1b: {  	p1 =	por p1, p2  }
.Ltmp2:
0x1c: {  	_ = 	snop;
	(pc) =	sbr.rel @p1 .LBB1_7-.Ltmp2, $1  }
0x1d: {  	_ =	sdelay $0x3  }
0x1e: {  	s13 =	simm.s32 $0x1;
	_ =	swait.ge [sflag:s4], $0x4000;
	s16 =	sshll.u32 s8, $0xE  }
0x1f: {  	s13 =	simm.s32 @!p0 $0x0;
	[sflag:s4] =	ssyncset.done $0x0;
	s31 =	sand.u32 $0x4000, s16  }
0x20: {  	s16 =	simm.s32 $0x0;
	s14 =	sshll.u32 s13, $0xE;
	[sflag:s4] =	ssyncadd.s32 $0xFFFFC000  }
0x21: {  	s13 =	sor.u32 $0x8040, s14;
	s15 =	sor.u32 $0x40, s14;
	s14 =	sor.u32 $0x8000, s31  }
.LBB1_3:
0x22: {  	v0 =	vmov s15;
	_ =	sdelay $0x3  }
0x23: {  	s18 =	simm.s32 $0x0  }
0x24: {  	v6 =	vld.idx.msk [tilespmem:v0+s18+$0x30 ss:$0x1], $0xffff  }
0x25: {  	v7 =	vld.idx.msk [tilespmem:v0+s18+$0xFFFFFFC0 ss:$0x1], $0xffff  }
0x26: {  	v5 =	vld.idx.msk [tilespmem:v0+s18+$0xFFFFFFD0 ss:$0x1], $0xffff  }
0x27: {  	v4 =	vld.idx.msk [tilespmem:v0+s18+$0xFFFFFFE0 ss:$0x1], $0xffff  }
0x28: {  	v3 =	vld.idx.msk [tilespmem:v0+s18+$0xFFFFFFF0 ss:$0x1], $0xffff  }
0x29: {  	v1 =	vld.idx.msk [tilespmem:v0+s18+$0x0 ss:$0x1], $0xffff  }
0x2a: {  	v2 =	vld.idx.msk [tilespmem:v0+s18+$0x10 ss:$0x1], $0xffff;
	[tilespmem:s13+$0x30] =	vst v6  }
0x2b: {  	s17 =	simm.s32 $0x80;
	s19 =	simm.s32 $0x400;
	[tilespmem:s13+$0xFFFFFFC0] =	vst v7;
	v6 =	vld.idx.msk [tilespmem:v0+s18+$0x20 ss:$0x1], $0xffff;
	s18 =	smov.u32 s13  }
.LBB1_4:
0x2c: {  	p1 =	sne.s32 s19, $0xE00;
	v7 =	vld.idx.msk [tilespmem:v0+s17+$0x30 ss:$0x1], $0xffff;
	[tilespmem:s18+$0xFFFFFFD0] =	vst v5  }
0x2d: {  	v8 =	vld.idx.msk [tilespmem:v0+s17+$0xFFFFFFC0 ss:$0x1], $0xffff;
	[tilespmem:s18+$0xFFFFFFE0] =	vst v4  }
0x2e: {  	v5 =	vld.idx.msk [tilespmem:v0+s17+$0xFFFFFFD0 ss:$0x1], $0xffff;
	[tilespmem:s18+$0xFFFFFFF0] =	vst v3  }
.Ltmp3:
0x2f: {  	v4 =	vld.idx.msk [tilespmem:v0+s17+$0xFFFFFFE0 ss:$0x1], $0xffff;
	[tilespmem:s18+$0x0] =	vst v1;
	(pc) =	sbr.rel @p1 .LBB1_4-.Ltmp3, $4  }
0x30: {  	v3 =	vld.idx.msk [tilespmem:v0+s17+$0xFFFFFFF0 ss:$0x1], $0xffff;
	[tilespmem:s18+$0x10] =	vst v2  }
0x31: {  	v1 =	vld.idx.msk [tilespmem:v0+s17+$0x0 ss:$0x1], $0xffff;
	[tilespmem:s18+$0x20] =	vst v6;
	s18 =	sadd.s32 $0x800, s18  }
0x32: {  	v2 =	vld.idx.msk [tilespmem:v0+s17+$0x10 ss:$0x1], $0xffff;
	[tilespmem:s18+$0x30] =	vst v7  }
0x33: {  	[tilespmem:s18+$0xFFFFFFC0] =	vst v8;
	v6 =	vld.idx.msk [tilespmem:v0+s17+$0x20 ss:$0x1], $0xffff;
	s17 =	sshra.s32 s19, $0x2;
	s19 =	sadd.s32 $0x200, s19  }
0x34: {  	_ =	sdelay $0x2  }
0x35: {  	[tilespmem:s18+$0xFFFFFFD0] =	vst v5  }
0x36: {  	v56 =	vld.idx.msk [tilespmem:v0+s17+$0x30 ss:$0x1], $0xffff;
	[tilespmem:s18+$0xFFFFFFE0] =	vst v4  }
0x37: {  	v57 =	vld.idx.msk [tilespmem:v0+s17+$0xFFFFFFC0 ss:$0x1], $0xffff;
	[tilespmem:s18+$0xFFFFFFF0] =	vst v3  }
0x38: {  	v58 =	vld.idx.msk [tilespmem:v0+s17+$0xFFFFFFD0 ss:$0x1], $0xffff;
	[tilespmem:s18+$0x0] =	vst v1  }
0x39: {  	v59 =	vld.idx.msk [tilespmem:v0+s17+$0xFFFFFFE0 ss:$0x1], $0xffff;
	[tilespmem:s18+$0x10] =	vst v2  }
0x3a: {  	v60 =	vld.idx.msk [tilespmem:v0+s17+$0xFFFFFFF0 ss:$0x1], $0xffff;
	s31 =	sadd.s32 $0x800, s18;
	[tilespmem:s18+$0x20] =	vst v6  }
0x3b: {  	v61 =	vld.idx.msk [tilespmem:v0+s17+$0x0 ss:$0x1], $0xffff;
	[tilespmem:s31+$0x30] =	vst v56  }
0x3c: {  	v62 =	vld.idx.msk [tilespmem:v0+s17+$0x10 ss:$0x1], $0xffff;
	s16 =	sadd.s32 $0x1, s16;
	[tilespmem:s31+$0xFFFFFFC0] =	vst v57  }
0x3d: {  	v63 =	vld.idx.msk [tilespmem:v0+s17+$0x20 ss:$0x1], $0xffff;
	p1 =	sne.s32 s16, $0x10;
	[tilespmem:s31+$0xFFFFFFD0] =	vst v58  }
.Ltmp4:
0x3e: {  	[tilespmem:s31+$0xFFFFFFE0] =	vst v59;
	(pc) =	sbr.rel @p1 .LBB1_3-.Ltmp4, $4  }
0x3f: {  	[tilespmem:s31+$0xFFFFFFF0] =	vst v60  }
0x40: {  	[tilespmem:s31+$0x0] =	vst v61  }
0x41: {  	[tilespmem:s31+$0x10] =	vst v62  }
0x42: {  	s13 =	sadd.s32 $0x80, s13;
	s15 =	sadd.s32 $0x400, s15;
	[tilespmem:s31+$0x20] =	vst v63  }
.Ltmp5:
0x43: {  	(pc) =	sbr.rel .LBB1_7-.Ltmp5, $4  }
0x44: {  	s12 =	sshll.u32 s12, $0xE;
	s11 =	sshll.u32 s11, $0x4  }
0x45: {  	s11 =	sand.u32 $0x7F0, s11;
	s12 =	sadd.s32 s2, s12  }
0x46: {  	s11 =	sadd.s32 s11, s12  }
0x47: {  	[hbm4b:s11+s6] =	stream.strided.scatter [tilespmem:s14], [sflag:$0x2], $0x4000, s7, s6, $0x38;
	[tilespmem:$0x10000] =	vst v63  }
.LBB1_8:
0x48: {  	_ =	sfence.sel $0x180000  }
0x49: {  	s2 =	simm.s32 $0x1;
	[bflag:$0x0] =	sbarrier.arrive $0xFFFF  }
0x4a: {  	s31 =	simm.s32 $0x2;
	[sflag:s2] =	ssyncpa.u1 $0x1  }
0x4b: {  	[sflag:s31] =	ssyncpa.u1 $0x1  }
0x4c: {  	p0 =	sne.s32 s1, $0x0;
	_ =	strace $0x90000047  }
0x4d: {  	s0 =	sadd.s32 @!p0 $0x100000, s0;
	[bflag:$0x2] =	sbarrier.arrive $0xFFFF  }
0x4e: {  	[sflag:s0] =	ssyncadd.tile.s32 @!p0 $0x1;
	_ =	shalt  }
.Lfunc_end1:
_tile_overlayer_lowered:
.L_overlay_start_2:
0x4f: {  	(tag) =	ssettag $0x2  }
0x50: {  	s0 =	rddreg [dreg:$0x0];
	s2 =	stileid.u32  }
0x51: {  	s1 =	rddreg [dreg:$0x1];
	p0 =	sne.s32 s2, $0x0  }
0x52: {  	s3 =	rddreg [dreg:$0x2];
	[bflag:$0x3] =	sbarrier.arrive $0xFFFF;
	s2 =	simm.s32 @!p0 $0x1C01  }
0x53: {  	[timem:s3], [sflag:s2] =	dma.local @!p0 [hbm:s0], s1  }
0x54: {  	s0 =	simm.s32 @!p0 $0x1  }
0x55: {  	_ =	swait.ge @!p0 [sflag:s0], s1  }
0x56: {  	s1 =	ssub.s32 @!p0 $0x0, s1;
	[sflag:s0] =	ssyncset.done @!p0 $0x0  }
0x57: {  	[sflag:s0] =	ssyncadd.s32 @!p0 s1  }
0x58: {  	[bflag:$0x3] =	sbarrier.arrive $0xFFFF  }
0x59: {  	_ =	shalt  }

// kernel: sparse-core-data-format-call.4.cloned.1.call-start
scs
called_computation.4_lowered:
.L_overlay_start_0:
0x0: {  	s2 =	sld [smem:$0x3FD9]  }
0x1: {  	s3 =	sld [smem:$0x3FFE];
	_ =	sdelay $0x1  }
0x2: {  	s1 =	srdreg.scid  }
0x3: {  	s0 =	sand.u32 $0x1, s1  }
0x4: {  	s16 =	sshll.u32 s0, $0xA;
	s2 =	sadd.s32 s3, s2  }
0x5: {  	s2 =	sadd.s32 s2, s16  }
0x6: {  	[smem:$0x3FAD] =	sst s2  }
0x7: {  	_ = 	snop  }
0x8: {  	s2 =	sld [smem:$0x3FD0];
	_ =	sdelay $0x2  }
0x9: {  	s17 =	simm.s32 $0xE;
	s4 =	simm.s32 $0x10  }
0xa: {  	[smem:s4], [sflag:s17] =	dma.local [hbm:s2], $0x1  }
0xb: {  	_ =	swait.eq [sflag:s17], $0x1  }
0xc: {  	[sflag:s17] =	ssyncset.done $0x0  }
0xd: {  	[sflag:s17] =	ssyncadd.s32 $0xFFFFFFFF  }
0xe: {  	s18 =	sld [smem:$0x10];
	(tm) =	ssettm $0x1  }
0xf: {  	s19 =	sld [smem:$0x3FFB];
	_ =	sdelay $0x3  }
0x10: {  	_ =	strace s19  }
0x11: {  	s2 =	sld [smem:$0x3FFC];
	_ =	sdelay $0x3  }
0x12: {  	_ =	strace s2  }
0x13: {  	s2 =	sld [smem:$0x3FFD];
	_ =	sdelay $0x3  }
0x14: {  	_ =	strace s2  }
0x15: {  	_ =	strace $0x8FFFFFFF  }
0x16: {  	s20 =	sld [smem:$0x3FDB];
	_ =	sdelay $0x1  }
0x17: {  	s21 =	simm.s32 $_scs_section_size  }
0x18: {  	s5 =	simm.s32 $_size__tile_overlayer_lowered;
	s6 =	simm.s32 $_tile_overlayer_lowered  }
0x19: {  	s7 =	simm.s32 $0x1BFF;
	s22 =	sshll.u32 s6, $0x1;
	s4 =	sadd.s32 s21, s20  }
0x1a: {  	s23 =	simm.s32 $0x0;
	s5 =	sshll.u32 s5, $0x1;
	s6 =	sadd.s32 s22, s4  }
0x1b: {  	[timem:s23], [sflag:s7] =	dma.local [hbm:s6], s5  }
0x1c: {  	_ =	swait.ge [sflag:s7], s5  }
0x1d: {  	s5 =	ssub.s32 $0x0, s5;
	[sflag:s7] =	ssyncset.done $0x0  }
0x1e: {  	[sflag:s7] =	ssyncadd.s32 s5;
	_ =	sdelay $0x1  }
0x1f: {  	s24 =	simm.s32 $0x1B8B  }
0x20: {  	_ =	swait.ge [sflag:s24], $0x1  }
0x21: {  	[sflag:s24] =	ssyncset.done $0x0  }
0x22: {  	[sflag:s24] =	ssyncadd.s32 $0xFFFFFFFF  }
0x23: {  	s5 =	sld [smem:$0x0]  }
0x24: {  	s6 =	sand.u32 $0xFFFFFFFE, s1  }
0x25: {  	p0 =	sne.s32 s1, s6  }
0x26: {  	s6 =	sshll.u32 @p0 s6, $0xE  }
0x27: {  	s6 =	sadd.s32 @p0 $0x11B8D, s6;
	s7 =	sshll.u32 @p0 s5, $0x11  }
0x28: {  	s6 =	sor.u32 @p0 s7, s6  }
0x29: {  	[sflag:s6] =	ssyncadd.remote.s32 @p0 $0x1;
	_ =	sdelay $0x1  }
0x2a: {  	s6 =	simm.s32 @p0 $0x1B8D  }
0x2b: {  	_ =	swait.eq @p0 [sflag:s6], $0x1  }
0x2c: {  	[sflag:s6] =	ssyncadd.s32 @p0 $0xFFFFFFFF  }
0x2d: {  	s7 =	sshll.u32 @!p0 s1, $0xE  }
0x2e: {  	s7 =	sor.u32 @!p0 $0x4000, s7;
	s6 =	simm.s32 @!p0 $0x1B8D  }
0x2f: {  	s5 =	sshll.u32 @!p0 s5, $0x11;
	s7 =	sadd.s32 @!p0 $0x11B8D, s7;
	_ =	swait.eq @!p0 [sflag:s6], $0x1  }
0x30: {  	s5 =	sor.u32 @!p0 s5, s7;
	[sflag:s6] =	ssyncadd.s32 @!p0 $0xFFFFFFFF  }
0x31: {  	s26 =	simm.s32 $0x1B8E;
	s25 =	sld [smem:$0x3FFE];
	[sflag:s5] =	ssyncadd.remote.s32 @!p0 $0x1  }
0x32: {  	s27 =	simm.s32 $execute0_lowered;
	[smem:$0x3FD2] =	sst s26  }
0x33: {  	s6 =	sshll.u32 s27, $0x1;
	_ =	strace $0x80000049;
	[dreg:$0x1] =	wrdreg $0xFFFFFFFF  }
0x34: {  	s28 =	simm.s32 $_size_execute0_lowered;
	s4 =	sadd.s32 s4, s6;
	[dreg:$0x0] =	wrdreg $0x0  }
0x35: {  	s6 =	sshll.u32 s28, $0x1;
	[dreg:$0x2] =	wrdreg s4  }
0x36: {  	[dreg:$0x3] =	wrdreg s6  }
0x37: {  	[dreg:$0x4] =	wrdreg $0xC0  }
0x38: {  	_ =	task [dreg:s23], $0x5FFFF  }
0x39: {  	[dreg:$0x1] =	wrdreg $0xFFFFFFFF  }
0x3a: {  	[dreg:$0x0] =	wrdreg $0x60  }
0x3b: {  	[dreg:$0x2] =	wrdreg s25  }
0x3c: {  	[dreg:$0x3] =	wrdreg s18  }
0x3d: {  	[dreg:$0x4] =	wrdreg $0xD  }
0x3e: {  	_ =	task.clear_ibuf [dreg:s23], $0x5FFFF;
	_ =	strace $0x90000049  }
0x3f: {  	s29 =	simm.s32 $0xD;
	_ =	strace $0x8000004B  }
0x40: {  	_ =	swait.ge [sflag:s29], $0x1  }
0x41: {  	[sflag:s29] =	ssyncadd.s32 $0xFFFFFFFF  }
0x42: {  	_ =	strace $0x9000004B  }
0x43: {  	_ =	sfence  }
0x44: {  	s30 =	sld [smem:$0x0];
	_ =	sdelay $0x2  }
0x45: {  	s31 =	sshll.u32 s1, $0xD;
	s1 =	sshrl.u32 s1, $0x2  }
0x46: {  	s4 =	sand.u32 $0x4000, s31;
	s1 =	sadd.s32 s1, s30  }
0x47: {  	s0 =	sor.u32 s4, s0;
	s1 =	sshll.u32 s1, $0x11  }
0x48: {  	s0 =	sor.u32 s1, s0  }
0x49: {  	s0 =	sadd.s32 $0x8F2B, s0  }
0x4a: {  	[sflag:s0] =	ssyncadd.remote.s32 $0x1  }
0x4b: {  	_ =	sfence.sel $0xFFFF  }
0x4c: {  	[dreg:$0x0] =	wrdreg $0xFFFFFFFF;
	(pc) =	sbr.abs _section_cstart, $3  }
0x4d: {  	[dreg:$0x1] =	wrdreg $0xFFFFFFFF  }
0x4e: {  	_ =	task.clear_ibuf [dreg:s23], $0x2FFFF;
	_ =	strace $0x9FFFFFFF  }
0x4f: {  	(tm) =	ssettm $0x7FFFFFFF  }
tec
execute0_lowered:
.L_overlay_start_1:
0x0: {  	(tag) =	ssettag $0x1  }
0x1: {  	s1 =	rddreg [dreg:$0x0]  }
0x2: {  	s2 =	rddreg [dreg:$0x1]  }
0x3: {  	s0 =	rddreg [dreg:$0x2];
	_ =	strace $0x8000004A;
	s4 =	srdreg.scid  }
0x4: {  	s6 =	simm.s32 $0x2;
	s11 =	simm.s32 $0x0;
	p0 =	por $0x0, $0x0  }
.Ltmp0:
0x5: {  	s7 =	simm.s32 $0x4000;
	s12 =	simm.s32 $0x0;
	(pc) =	sbr.rel .LBB1_1-.Ltmp0, $4  }
0x6: {  	s9 =	simm.s32 $0x0;
	s3 =	sadd.s32 $0x216000, s1;
	s5 =	sshll.u32 s4, $0x4  }
0x7: {  	s1 =	stileid.u32;
	s4 =	simm.s32 $0x1;
	s5 =	sand.u32 $0x10, s5  }
0x8: {  	s8 =	simm.s32 $0x0;
	[sflag:s4] =	ssyncpa.u1 $0x0;
	s5 =	sor.u32 s1, s5  }
0x9: {  	[sflag:s6] =	ssyncpa.u1 $0x0;
	s6 =	simm.s32 $0x800;
	s10 =	smov.u32 s5  }
.LBB1_7:
0xa: {  	s13 =	sadd.s32 $0x10, s9  }
0xb: {  	s11 =	sadd.s32 $0x20, s10;
	s15 =	smov.u32 s10;
	p2 =	sgt.s32 s13, $0x7F  }
0xc: {  	p1 =	slt.u32 s8, $0x2;
	s15 =	smov.u32 @p2 s11  }
0xd: {  	s8 =	sadd.s32 $0x1, s8;
	s13 =	simm.s32 @p2 $0x0;
	p2 =	sgt.s32 s15, $0x3F  }
0xe: {  	s15 =	smov.u32 @p2 s5;
	p2 =	sne.s32 s8, $0x12  }
.Ltmp1:
0xf: {  	_ = 	snop;
	(pc) =	sbr.rel @!p2 .LBB1_8-.Ltmp1, $4  }
0x10: {  	s14 =	simm.s32 @!p1 $0x2  }
0x11: {  	s12 =	smov.u32 s10;
	_ =	swait.ge @!p1 [sflag:s14], $0x4000  }
0x12: {  	p0 =	por !p0, !p0;
	s11 =	smov.u32 s9;
	[sflag:s14] =	ssyncset.done @!p1 $0x0  }
0x13: {  	s9 =	smov.u32 s13;
	[sflag:s14] =	ssyncadd.s32 @!p1 $0xFFFFC000;
	s10 =	smov.u32 s15  }
.LBB1_1:
0x14: {  	p1 =	sgt.u32 s8, $0xF  }
0x15: {  	s13 =	sxor.u32 @!p1 $0xFFFFFFFF, s8;
	s14 =	sshll.u32 @!p1 s10, $0xE  }
0x16: {  	s15 =	sshll.u32 @!p1 s9, $0x7;
	s13 =	sshll.u32 @!p1 s13, $0xE;
	s14 =	sadd.s32 @!p1 s3, s14  }
0x17: {  	s13 =	sand.u32 @!p1 $0x4000, s13;
	s14 =	sadd.s32 @!p1 s15, s14;
	s15 =	simm.s32 @!p1 $0x0  }
0x18: {  	[tilespmem:s13], [sflag:$0x1] =	stream.linear.gather @!p1 [hbm4b:s14+s15], $0x4000, $0x38;
	[tilespmem:$0x10000] =	vst v63  }
0x19: {  	p1 =	seq.s32 s8, $0x0  }
0x1a: {  	p2 =	seq.s32 @!p1 s8, $0x11  }
0x1b: {  	p1 =	por p1, p2  }
.Ltmp2:
0x1c: {  	_ = 	snop;
	(pc) =	sbr.rel @p1 .LBB1_7-.Ltmp2, $1  }
0x1d: {  	_ =	sdelay $0x3  }
0x1e: {  	s13 =	simm.s32 $0x1;
	_ =	swait.ge [sflag:s4], $0x4000;
	s16 =	sshll.u32 s8, $0xE  }
0x1f: {  	s13 =	simm.s32 @!p0 $0x0;
	[sflag:s4] =	ssyncset.done $0x0;
	s31 =	sand.u32 $0x4000, s16  }
0x20: {  	s16 =	simm.s32 $0x0;
	s14 =	sshll.u32 s13, $0xE;
	[sflag:s4] =	ssyncadd.s32 $0xFFFFC000  }
0x21: {  	s13 =	sor.u32 $0x8040, s14;
	s15 =	sor.u32 $0x40, s14;
	s14 =	sor.u32 $0x8000, s31  }
.LBB1_3:
0x22: {  	v0 =	vmov s15;
	_ =	sdelay $0x3  }
0x23: {  	s18 =	simm.s32 $0x0  }
0x24: {  	v6 =	vld.idx.msk [tilespmem:v0+s18+$0x30 ss:$0x1], $0xffff  }
0x25: {  	v7 =	vld.idx.msk [tilespmem:v0+s18+$0xFFFFFFC0 ss:$0x1], $0xffff  }
0x26: {  	v5 =	vld.idx.msk [tilespmem:v0+s18+$0xFFFFFFD0 ss:$0x1], $0xffff  }
0x27: {  	v4 =	vld.idx.msk [tilespmem:v0+s18+$0xFFFFFFE0 ss:$0x1], $0xffff  }
0x28: {  	v3 =	vld.idx.msk [tilespmem:v0+s18+$0xFFFFFFF0 ss:$0x1], $0xffff  }
0x29: {  	v1 =	vld.idx.msk [tilespmem:v0+s18+$0x0 ss:$0x1], $0xffff  }
0x2a: {  	v2 =	vld.idx.msk [tilespmem:v0+s18+$0x10 ss:$0x1], $0xffff;
	[tilespmem:s13+$0x30] =	vst v6  }
0x2b: {  	s17 =	simm.s32 $0x80;
	s19 =	simm.s32 $0x400;
	[tilespmem:s13+$0xFFFFFFC0] =	vst v7;
	v6 =	vld.idx.msk [tilespmem:v0+s18+$0x20 ss:$0x1], $0xffff;
	s18 =	smov.u32 s13  }
.LBB1_4:
0x2c: {  	p1 =	sne.s32 s19, $0xE00;
	v7 =	vld.idx.msk [tilespmem:v0+s17+$0x30 ss:$0x1], $0xffff;
	[tilespmem:s18+$0xFFFFFFD0] =	vst v5  }
0x2d: {  	v8 =	vld.idx.msk [tilespmem:v0+s17+$0xFFFFFFC0 ss:$0x1], $0xffff;
	[tilespmem:s18+$0xFFFFFFE0] =	vst v4  }
0x2e: {  	v5 =	vld.idx.msk [tilespmem:v0+s17+$0xFFFFFFD0 ss:$0x1], $0xffff;
	[tilespmem:s18+$0xFFFFFFF0] =	vst v3  }
.Ltmp3:
0x2f: {  	v4 =	vld.idx.msk [tilespmem:v0+s17+$0xFFFFFFE0 ss:$0x1], $0xffff;
	[tilespmem:s18+$0x0] =	vst v1;
	(pc) =	sbr.rel @p1 .LBB1_4-.Ltmp3, $4  }
0x30: {  	v3 =	vld.idx.msk [tilespmem:v0+s17+$0xFFFFFFF0 ss:$0x1], $0xffff;
	[tilespmem:s18+$0x10] =	vst v2  }
0x31: {  	v1 =	vld.idx.msk [tilespmem:v0+s17+$0x0 ss:$0x1], $0xffff;
	[tilespmem:s18+$0x20] =	vst v6;
	s18 =	sadd.s32 $0x800, s18  }
0x32: {  	v2 =	vld.idx.msk [tilespmem:v0+s17+$0x10 ss:$0x1], $0xffff;
	[tilespmem:s18+$0x30] =	vst v7  }
0x33: {  	[tilespmem:s18+$0xFFFFFFC0] =	vst v8;
	v6 =	vld.idx.msk [tilespmem:v0+s17+$0x20 ss:$0x1], $0xffff;
	s17 =	sshra.s32 s19, $0x2;
	s19 =	sadd.s32 $0x200, s19  }
0x34: {  	_ =	sdelay $0x2  }
0x35: {  	[tilespmem:s18+$0xFFFFFFD0] =	vst v5  }
0x36: {  	v56 =	vld.idx.msk [tilespmem:v0+s17+$0x30 ss:$0x1], $0xffff;
	[tilespmem:s18+$0xFFFFFFE0] =	vst v4  }
0x37: {  	v57 =	vld.idx.msk [tilespmem:v0+s17+$0xFFFFFFC0 ss:$0x1], $0xffff;
	[tilespmem:s18+$0xFFFFFFF0] =	vst v3  }
0x38: {  	v58 =	vld.idx.msk [tilespmem:v0+s17+$0xFFFFFFD0 ss:$0x1], $0xffff;
	[tilespmem:s18+$0x0] =	vst v1  }
0x39: {  	v59 =	vld.idx.msk [tilespmem:v0+s17+$0xFFFFFFE0 ss:$0x1], $0xffff;
	[tilespmem:s18+$0x10] =	vst v2  }
0x3a: {  	v60 =	vld.idx.msk [tilespmem:v0+s17+$0xFFFFFFF0 ss:$0x1], $0xffff;
	s31 =	sadd.s32 $0x800, s18;
	[tilespmem:s18+$0x20] =	vst v6  }
0x3b: {  	v61 =	vld.idx.msk [tilespmem:v0+s17+$0x0 ss:$0x1], $0xffff;
	[tilespmem:s31+$0x30] =	vst v56  }
0x3c: {  	v62 =	vld.idx.msk [tilespmem:v0+s17+$0x10 ss:$0x1], $0xffff;
	s16 =	sadd.s32 $0x1, s16;
	[tilespmem:s31+$0xFFFFFFC0] =	vst v57  }
0x3d: {  	v63 =	vld.idx.msk [tilespmem:v0+s17+$0x20 ss:$0x1], $0xffff;
	p1 =	sne.s32 s16, $0x10;
	[tilespmem:s31+$0xFFFFFFD0] =	vst v58  }
.Ltmp4:
0x3e: {  	[tilespmem:s31+$0xFFFFFFE0] =	vst v59;
	(pc) =	sbr.rel @p1 .LBB1_3-.Ltmp4, $4  }
0x3f: {  	[tilespmem:s31+$0xFFFFFFF0] =	vst v60  }
0x40: {  	[tilespmem:s31+$0x0] =	vst v61  }
0x41: {  	[tilespmem:s31+$0x10] =	vst v62  }
0x42: {  	s13 =	sadd.s32 $0x80, s13;
	s15 =	sadd.s32 $0x400, s15;
	[tilespmem:s31+$0x20] =	vst v63  }
.Ltmp5:
0x43: {  	(pc) =	sbr.rel .LBB1_7-.Ltmp5, $4  }
0x44: {  	s12 =	sshll.u32 s12, $0xE;
	s11 =	sshll.u32 s11, $0x4  }
0x45: {  	s11 =	sand.u32 $0x7F0, s11;
	s12 =	sadd.s32 s2, s12  }
0x46: {  	s11 =	sadd.s32 s11, s12  }
0x47: {  	[hbm4b:s11+s6] =	stream.strided.scatter [tilespmem:s14], [sflag:$0x2], $0x4000, s7, s6, $0x38;
	[tilespmem:$0x10000] =	vst v63  }
.LBB1_8:
0x48: {  	_ =	sfence.sel $0x180000  }
0x49: {  	s2 =	simm.s32 $0x1;
	[bflag:$0x0] =	sbarrier.arrive $0xFFFF  }
0x4a: {  	s31 =	simm.s32 $0x2;
	[sflag:s2] =	ssyncpa.u1 $0x1  }
0x4b: {  	[sflag:s31] =	ssyncpa.u1 $0x1  }
0x4c: {  	p0 =	sne.s32 s1, $0x0;
	_ =	strace $0x9000004A  }
0x4d: {  	s0 =	sadd.s32 @!p0 $0x100000, s0;
	[bflag:$0x2] =	sbarrier.arrive $0xFFFF  }
0x4e: {  	[sflag:s0] =	ssyncadd.tile.s32 @!p0 $0x1;
	_ =	shalt  }
.Lfunc_end1:
_tile_overlayer_lowered:
.L_overlay_start_2:
0x4f: {  	(tag) =	ssettag $0x2  }
0x50: {  	s0 =	rddreg [dreg:$0x0];
	s2 =	stileid.u32  }
0x51: {  	s1 =	rddreg [dreg:$0x1];
	p0 =	sne.s32 s2, $0x0  }
0x52: {  	s3 =	rddreg [dreg:$0x2];
	[bflag:$0x3] =	sbarrier.arrive $0xFFFF;
	s2 =	simm.s32 @!p0 $0x1C01  }
0x53: {  	[timem:s3], [sflag:s2] =	dma.local @!p0 [hbm:s0], s1  }
0x54: {  	s0 =	simm.s32 @!p0 $0x1  }
0x55: {  	_ =	swait.ge @!p0 [sflag:s0], s1  }
0x56: {  	s1 =	ssub.s32 @!p0 $0x0, s1;
	[sflag:s0] =	ssyncset.done @!p0 $0x0  }
0x57: {  	[sflag:s0] =	ssyncadd.s32 @!p0 s1  }
0x58: {  	[bflag:$0x3] =	sbarrier.arrive $0xFFFF  }
0x59: {  	_ =	shalt  }

// kernel: sparse-core-data-format-call.cloned.1.call-start
scs
called_computation_lowered:
.L_overlay_start_0:
0x0: {  	s2 =	sld [smem:$0x3FD9]  }
0x1: {  	s3 =	sld [smem:$0x3FFE];
	_ =	sdelay $0x1  }
0x2: {  	s1 =	srdreg.scid  }
0x3: {  	s0 =	sand.u32 $0x1, s1  }
0x4: {  	s16 =	sshll.u32 s0, $0xA;
	s2 =	sadd.s32 s3, s2  }
0x5: {  	s2 =	sadd.s32 s2, s16  }
0x6: {  	[smem:$0x3FAD] =	sst s2  }
0x7: {  	_ = 	snop  }
0x8: {  	s2 =	sld [smem:$0x3FD0];
	_ =	sdelay $0x2  }
0x9: {  	s17 =	simm.s32 $0xE;
	s4 =	simm.s32 $0x10  }
0xa: {  	[smem:s4], [sflag:s17] =	dma.local [hbm:s2], $0x1  }
0xb: {  	_ =	swait.eq [sflag:s17], $0x1  }
0xc: {  	[sflag:s17] =	ssyncset.done $0x0  }
0xd: {  	[sflag:s17] =	ssyncadd.s32 $0xFFFFFFFF  }
0xe: {  	s18 =	sld [smem:$0x15];
	(tm) =	ssettm $0x1  }
0xf: {  	s19 =	sld [smem:$0x3FFB];
	_ =	sdelay $0x3  }
0x10: {  	_ =	strace s19  }
0x11: {  	s2 =	sld [smem:$0x3FFC];
	_ =	sdelay $0x3  }
0x12: {  	_ =	strace s2  }
0x13: {  	s2 =	sld [smem:$0x3FFD];
	_ =	sdelay $0x3  }
0x14: {  	_ =	strace s2  }
0x15: {  	_ =	strace $0x8FFFFFFF  }
0x16: {  	s20 =	sld [smem:$0x3FDB];
	_ =	sdelay $0x1  }
0x17: {  	s21 =	simm.s32 $_scs_section_size  }
0x18: {  	s5 =	simm.s32 $_size__tile_overlayer_lowered;
	s6 =	simm.s32 $_tile_overlayer_lowered  }
0x19: {  	s7 =	simm.s32 $0x1BFF;
	s22 =	sshll.u32 s6, $0x1;
	s4 =	sadd.s32 s21, s20  }
0x1a: {  	s23 =	simm.s32 $0x0;
	s5 =	sshll.u32 s5, $0x1;
	s6 =	sadd.s32 s22, s4  }
0x1b: {  	[timem:s23], [sflag:s7] =	dma.local [hbm:s6], s5  }
0x1c: {  	_ =	swait.ge [sflag:s7], s5  }
0x1d: {  	s5 =	ssub.s32 $0x0, s5;
	[sflag:s7] =	ssyncset.done $0x0  }
0x1e: {  	[sflag:s7] =	ssyncadd.s32 s5;
	_ =	sdelay $0x1  }
0x1f: {  	s24 =	simm.s32 $0x1B8B  }
0x20: {  	_ =	swait.ge [sflag:s24], $0x1  }
0x21: {  	[sflag:s24] =	ssyncset.done $0x0  }
0x22: {  	[sflag:s24] =	ssyncadd.s32 $0xFFFFFFFF  }
0x23: {  	s5 =	sld [smem:$0x0]  }
0x24: {  	s6 =	sand.u32 $0xFFFFFFFE, s1  }
0x25: {  	p0 =	sne.s32 s1, s6  }
0x26: {  	s6 =	sshll.u32 @p0 s6, $0xE  }
0x27: {  	s6 =	sadd.s32 @p0 $0x11B8D, s6;
	s7 =	sshll.u32 @p0 s5, $0x11  }
0x28: {  	s6 =	sor.u32 @p0 s7, s6  }
0x29: {  	[sflag:s6] =	ssyncadd.remote.s32 @p0 $0x1;
	_ =	sdelay $0x1  }
0x2a: {  	s6 =	simm.s32 @p0 $0x1B8D  }
0x2b: {  	_ =	swait.eq @p0 [sflag:s6], $0x1  }
0x2c: {  	[sflag:s6] =	ssyncadd.s32 @p0 $0xFFFFFFFF  }
0x2d: {  	s7 =	sshll.u32 @!p0 s1, $0xE  }
0x2e: {  	s7 =	sor.u32 @!p0 $0x4000, s7;
	s6 =	simm.s32 @!p0 $0x1B8D  }
0x2f: {  	s5 =	sshll.u32 @!p0 s5, $0x11;
	s7 =	sadd.s32 @!p0 $0x11B8D, s7;
	_ =	swait.eq @!p0 [sflag:s6], $0x1  }
0x30: {  	s5 =	sor.u32 @!p0 s5, s7;
	[sflag:s6] =	ssyncadd.s32 @!p0 $0xFFFFFFFF  }
0x31: {  	s26 =	simm.s32 $0x1B8E;
	s25 =	sld [smem:$0x3FFE];
	[sflag:s5] =	ssyncadd.remote.s32 @!p0 $0x1  }
0x32: {  	s27 =	simm.s32 $execute0_lowered;
	[smem:$0x3FD2] =	sst s26  }
0x33: {  	s6 =	sshll.u32 s27, $0x1;
	_ =	strace $0x80000052;
	[dreg:$0x1] =	wrdreg $0xFFFFFFFF  }
0x34: {  	s28 =	simm.s32 $_size_execute0_lowered;
	s4 =	sadd.s32 s4, s6;
	[dreg:$0x0] =	wrdreg $0x0  }
0x35: {  	s6 =	sshll.u32 s28, $0x1;
	[dreg:$0x2] =	wrdreg s4  }
0x36: {  	[dreg:$0x3] =	wrdreg s6  }
0x37: {  	[dreg:$0x4] =	wrdreg $0xC0  }
0x38: {  	_ =	task [dreg:s23], $0x5FFFF  }
0x39: {  	[dreg:$0x1] =	wrdreg $0xFFFFFFFF  }
0x3a: {  	[dreg:$0x0] =	wrdreg $0x60  }
0x3b: {  	[dreg:$0x2] =	wrdreg s25  }
0x3c: {  	[dreg:$0x3] =	wrdreg s18  }
0x3d: {  	[dreg:$0x4] =	wrdreg $0x9  }
0x3e: {  	_ =	task.clear_ibuf [dreg:s23], $0x5FFFF;
	_ =	strace $0x90000052  }
0x3f: {  	s29 =	simm.s32 $0x9;
	_ =	strace $0x80000054  }
0x40: {  	_ =	swait.ge [sflag:s29], $0x1  }
0x41: {  	[sflag:s29] =	ssyncadd.s32 $0xFFFFFFFF  }
0x42: {  	_ =	strace $0x90000054  }
0x43: {  	_ =	sfence  }
0x44: {  	s30 =	sld [smem:$0x0];
	_ =	sdelay $0x2  }
0x45: {  	s31 =	sshll.u32 s1, $0xD;
	s1 =	sshrl.u32 s1, $0x2  }
0x46: {  	s4 =	sand.u32 $0x4000, s31;
	s1 =	sadd.s32 s1, s30  }
0x47: {  	s0 =	sor.u32 s4, s0;
	s1 =	sshll.u32 s1, $0x11  }
0x48: {  	s0 =	sor.u32 s1, s0  }
0x49: {  	s0 =	sadd.s32 $0x8F2B, s0  }
0x4a: {  	[sflag:s0] =	ssyncadd.remote.s32 $0x1  }
0x4b: {  	_ =	sfence.sel $0xFFFF  }
0x4c: {  	[dreg:$0x0] =	wrdreg $0xFFFFFFFF;
	(pc) =	sbr.abs _section_cstart, $3  }
0x4d: {  	[dreg:$0x1] =	wrdreg $0xFFFFFFFF  }
0x4e: {  	_ =	task.clear_ibuf [dreg:s23], $0x2FFFF;
	_ =	strace $0x9FFFFFFF  }
0x4f: {  	(tm) =	ssettm $0x7FFFFFFF  }
tec
execute0_lowered:
.L_overlay_start_1:
0x0: {  	(tag) =	ssettag $0x1  }
0x1: {  	s1 =	rddreg [dreg:$0x0]  }
0x2: {  	s2 =	rddreg [dreg:$0x1]  }
0x3: {  	s0 =	rddreg [dreg:$0x2];
	_ =	strace $0x80000053;
	s4 =	srdreg.scid  }
0x4: {  	s6 =	simm.s32 $0x2;
	s11 =	simm.s32 $0x0;
	p0 =	por $0x0, $0x0  }
.Ltmp0:
0x5: {  	s7 =	simm.s32 $0x4000;
	s12 =	simm.s32 $0x0;
	(pc) =	sbr.rel .LBB1_1-.Ltmp0, $4  }
0x6: {  	s9 =	simm.s32 $0x0;
	s3 =	sadd.s32 $0x516000, s1;
	s5 =	sshll.u32 s4, $0x4  }
0x7: {  	s1 =	stileid.u32;
	s4 =	simm.s32 $0x1;
	s5 =	sand.u32 $0x10, s5  }
0x8: {  	s8 =	simm.s32 $0x0;
	[sflag:s4] =	ssyncpa.u1 $0x0;
	s5 =	sor.u32 s1, s5  }
0x9: {  	[sflag:s6] =	ssyncpa.u1 $0x0;
	s6 =	simm.s32 $0x800;
	s10 =	smov.u32 s5  }
.LBB1_7:
0xa: {  	s13 =	sadd.s32 $0x10, s9  }
0xb: {  	s11 =	sadd.s32 $0x20, s10;
	s15 =	smov.u32 s10;
	p2 =	sgt.s32 s13, $0x7F  }
0xc: {  	p1 =	slt.u32 s8, $0x2;
	s15 =	smov.u32 @p2 s11  }
0xd: {  	s8 =	sadd.s32 $0x1, s8;
	s13 =	simm.s32 @p2 $0x0;
	p2 =	sgt.s32 s15, $0x3F  }
0xe: {  	s15 =	smov.u32 @p2 s5;
	p2 =	sne.s32 s8, $0x12  }
.Ltmp1:
0xf: {  	_ = 	snop;
	(pc) =	sbr.rel @!p2 .LBB1_8-.Ltmp1, $4  }
0x10: {  	s14 =	simm.s32 @!p1 $0x2  }
0x11: {  	s12 =	smov.u32 s10;
	_ =	swait.ge @!p1 [sflag:s14], $0x4000  }
0x12: {  	p0 =	por !p0, !p0;
	s11 =	smov.u32 s9;
	[sflag:s14] =	ssyncset.done @!p1 $0x0  }
0x13: {  	s9 =	smov.u32 s13;
	[sflag:s14] =	ssyncadd.s32 @!p1 $0xFFFFC000;
	s10 =	smov.u32 s15  }
.LBB1_1:
0x14: {  	p1 =	sgt.u32 s8, $0xF  }
0x15: {  	s13 =	sxor.u32 @!p1 $0xFFFFFFFF, s8;
	s14 =	sshll.u32 @!p1 s10, $0xE  }
0x16: {  	s15 =	sshll.u32 @!p1 s9, $0x7;
	s13 =	sshll.u32 @!p1 s13, $0xE;
	s14 =	sadd.s32 @!p1 s3, s14  }
0x17: {  	s13 =	sand.u32 @!p1 $0x4000, s13;
	s14 =	sadd.s32 @!p1 s15, s14;
	s15 =	simm.s32 @!p1 $0x0  }
0x18: {  	[tilespmem:s13], [sflag:$0x1] =	stream.linear.gather @!p1 [hbm4b:s14+s15], $0x4000, $0x38;
	[tilespmem:$0x10000] =	vst v63  }
0x19: {  	p1 =	seq.s32 s8, $0x0  }
0x1a: {  	p2 =	seq.s32 @!p1 s8, $0x11  }
0x1b: {  	p1 =	por p1, p2  }
.Ltmp2:
0x1c: {  	_ = 	snop;
	(pc) =	sbr.rel @p1 .LBB1_7-.Ltmp2, $1  }
0x1d: {  	_ =	sdelay $0x3  }
0x1e: {  	s13 =	simm.s32 $0x1;
	_ =	swait.ge [sflag:s4], $0x4000;
	s16 =	sshll.u32 s8, $0xE  }
0x1f: {  	s13 =	simm.s32 @!p0 $0x0;
	[sflag:s4] =	ssyncset.done $0x0;
	s31 =	sand.u32 $0x4000, s16  }
0x20: {  	s16 =	simm.s32 $0x0;
	s14 =	sshll.u32 s13, $0xE;
	[sflag:s4] =	ssyncadd.s32 $0xFFFFC000  }
0x21: {  	s13 =	sor.u32 $0x8040, s14;
	s15 =	sor.u32 $0x40, s14;
	s14 =	sor.u32 $0x8000, s31  }
.LBB1_3:
0x22: {  	v0 =	vmov s15;
	_ =	sdelay $0x3  }
0x23: {  	s18 =	simm.s32 $0x0  }
0x24: {  	v6 =	vld.idx.msk [tilespmem:v0+s18+$0x30 ss:$0x1], $0xffff  }
0x25: {  	v7 =	vld.idx.msk [tilespmem:v0+s18+$0xFFFFFFC0 ss:$0x1], $0xffff  }
0x26: {  	v5 =	vld.idx.msk [tilespmem:v0+s18+$0xFFFFFFD0 ss:$0x1], $0xffff  }
0x27: {  	v4 =	vld.idx.msk [tilespmem:v0+s18+$0xFFFFFFE0 ss:$0x1], $0xffff  }
0x28: {  	v3 =	vld.idx.msk [tilespmem:v0+s18+$0xFFFFFFF0 ss:$0x1], $0xffff  }
0x29: {  	v1 =	vld.idx.msk [tilespmem:v0+s18+$0x0 ss:$0x1], $0xffff  }
0x2a: {  	v2 =	vld.idx.msk [tilespmem:v0+s18+$0x10 ss:$0x1], $0xffff;
	[tilespmem:s13+$0x30] =	vst v6  }
0x2b: {  	s17 =	simm.s32 $0x80;
	s19 =	simm.s32 $0x400;
	[tilespmem:s13+$0xFFFFFFC0] =	vst v7;
	v6 =	vld.idx.msk [tilespmem:v0+s18+$0x20 ss:$0x1], $0xffff;
	s18 =	smov.u32 s13  }
.LBB1_4:
0x2c: {  	p1 =	sne.s32 s19, $0xE00;
	v7 =	vld.idx.msk [tilespmem:v0+s17+$0x30 ss:$0x1], $0xffff;
	[tilespmem:s18+$0xFFFFFFD0] =	vst v5  }
0x2d: {  	v8 =	vld.idx.msk [tilespmem:v0+s17+$0xFFFFFFC0 ss:$0x1], $0xffff;
	[tilespmem:s18+$0xFFFFFFE0] =	vst v4  }
0x2e: {  	v5 =	vld.idx.msk [tilespmem:v0+s17+$0xFFFFFFD0 ss:$0x1], $0xffff;
	[tilespmem:s18+$0xFFFFFFF0] =	vst v3  }
.Ltmp3:
0x2f: {  	v4 =	vld.idx.msk [tilespmem:v0+s17+$0xFFFFFFE0 ss:$0x1], $0xffff;
	[tilespmem:s18+$0x0] =	vst v1;
	(pc) =	sbr.rel @p1 .LBB1_4-.Ltmp3, $4  }
0x30: {  	v3 =	vld.idx.msk [tilespmem:v0+s17+$0xFFFFFFF0 ss:$0x1], $0xffff;
	[tilespmem:s18+$0x10] =	vst v2  }
0x31: {  	v1 =	vld.idx.msk [tilespmem:v0+s17+$0x0 ss:$0x1], $0xffff;
	[tilespmem:s18+$0x20] =	vst v6;
	s18 =	sadd.s32 $0x800, s18  }
0x32: {  	v2 =	vld.idx.msk [tilespmem:v0+s17+$0x10 ss:$0x1], $0xffff;
	[tilespmem:s18+$0x30] =	vst v7  }
0x33: {  	[tilespmem:s18+$0xFFFFFFC0] =	vst v8;
	v6 =	vld.idx.msk [tilespmem:v0+s17+$0x20 ss:$0x1], $0xffff;
	s17 =	sshra.s32 s19, $0x2;
	s19 =	sadd.s32 $0x200, s19  }
0x34: {  	_ =	sdelay $0x2  }
0x35: {  	[tilespmem:s18+$0xFFFFFFD0] =	vst v5  }
0x36: {  	v56 =	vld.idx.msk [tilespmem:v0+s17+$0x30 ss:$0x1], $0xffff;
	[tilespmem:s18+$0xFFFFFFE0] =	vst v4  }
0x37: {  	v57 =	vld.idx.msk [tilespmem:v0+s17+$0xFFFFFFC0 ss:$0x1], $0xffff;
	[tilespmem:s18+$0xFFFFFFF0] =	vst v3  }
0x38: {  	v58 =	vld.idx.msk [tilespmem:v0+s17+$0xFFFFFFD0 ss:$0x1], $0xffff;
	[tilespmem:s18+$0x0] =	vst v1  }
0x39: {  	v59 =	vld.idx.msk [tilespmem:v0+s17+$0xFFFFFFE0 ss:$0x1], $0xffff;
	[tilespmem:s18+$0x10] =	vst v2  }
0x3a: {  	v60 =	vld.idx.msk [tilespmem:v0+s17+$0xFFFFFFF0 ss:$0x1], $0xffff;
	s31 =	sadd.s32 $0x800, s18;
	[tilespmem:s18+$0x20] =	vst v6  }
0x3b: {  	v61 =	vld.idx.msk [tilespmem:v0+s17+$0x0 ss:$0x1], $0xffff;
	[tilespmem:s31+$0x30] =	vst v56  }
0x3c: {  	v62 =	vld.idx.msk [tilespmem:v0+s17+$0x10 ss:$0x1], $0xffff;
	s16 =	sadd.s32 $0x1, s16;
	[tilespmem:s31+$0xFFFFFFC0] =	vst v57  }
0x3d: {  	v63 =	vld.idx.msk [tilespmem:v0+s17+$0x20 ss:$0x1], $0xffff;
	p1 =	sne.s32 s16, $0x10;
	[tilespmem:s31+$0xFFFFFFD0] =	vst v58  }
.Ltmp4:
0x3e: {  	[tilespmem:s31+$0xFFFFFFE0] =	vst v59;
	(pc) =	sbr.rel @p1 .LBB1_3-.Ltmp4, $4  }
0x3f: {  	[tilespmem:s31+$0xFFFFFFF0] =	vst v60  }
0x40: {  	[tilespmem:s31+$0x0] =	vst v61  }
0x41: {  	[tilespmem:s31+$0x10] =	vst v62  }
0x42: {  	s13 =	sadd.s32 $0x80, s13;
	s15 =	sadd.s32 $0x400, s15;
	[tilespmem:s31+$0x20] =	vst v63  }
.Ltmp5:
0x43: {  	(pc) =	sbr.rel .LBB1_7-.Ltmp5, $4  }
0x44: {  	s12 =	sshll.u32 s12, $0xE;
	s11 =	sshll.u32 s11, $0x4  }
0x45: {  	s11 =	sand.u32 $0x7F0, s11;
	s12 =	sadd.s32 s2, s12  }
0x46: {  	s11 =	sadd.s32 s11, s12  }
0x47: {  	[hbm4b:s11+s6] =	stream.strided.scatter [tilespmem:s14], [sflag:$0x2], $0x4000, s7, s6, $0x38;
	[tilespmem:$0x10000] =	vst v63  }
.LBB1_8:
0x48: {  	_ =	sfence.sel $0x180000  }
0x49: {  	s2 =	simm.s32 $0x1;
	[bflag:$0x0] =	sbarrier.arrive $0xFFFF  }
0x4a: {  	s31 =	simm.s32 $0x2;
	[sflag:s2] =	ssyncpa.u1 $0x1  }
0x4b: {  	[sflag:s31] =	ssyncpa.u1 $0x1  }
0x4c: {  	p0 =	sne.s32 s1, $0x0;
	_ =	strace $0x90000053  }
0x4d: {  	s0 =	sadd.s32 @!p0 $0x100000, s0;
	[bflag:$0x2] =	sbarrier.arrive $0xFFFF  }
0x4e: {  	[sflag:s0] =	ssyncadd.tile.s32 @!p0 $0x1;
	_ =	shalt  }
.Lfunc_end1:
_tile_overlayer_lowered:
.L_overlay_start_2:
0x4f: {  	(tag) =	ssettag $0x2  }
0x50: {  	s0 =	rddreg [dreg:$0x0];
	s2 =	stileid.u32  }
0x51: {  	s1 =	rddreg [dreg:$0x1];
	p0 =	sne.s32 s2, $0x0  }
0x52: {  	s3 =	rddreg [dreg:$0x2];
	[bflag:$0x3] =	sbarrier.arrive $0xFFFF;
	s2 =	simm.s32 @!p0 $0x1C01  }
0x53: {  	[timem:s3], [sflag:s2] =	dma.local @!p0 [hbm:s0], s1  }
0x54: {  	s0 =	simm.s32 @!p0 $0x1  }
0x55: {  	_ =	swait.ge @!p0 [sflag:s0], s1  }
0x56: {  	s1 =	ssub.s32 @!p0 $0x0, s1;
	[sflag:s0] =	ssyncset.done @!p0 $0x0  }
0x57: {  	[sflag:s0] =	ssyncadd.s32 @!p0 s1  }
0x58: {  	[bflag:$0x3] =	sbarrier.arrive $0xFFFF  }
0x59: {  	_ =	shalt  }

</sc_bundles>
